<compile_context>
chip_gen: v7x
topology: tpu7x:2x2x1
jax: 0.10.2.dev20260603
libtpu: 0.0.44.dev20260713+nightly
codegen_flags: <defaults>
</compile_context>

<pallas_src>
import functools

import jax
import jax.numpy as jnp
from jax import lax
from jax.experimental import pallas as pl
from jax.experimental.pallas import tpu as pltpu
from jax.experimental.pallas import tpu_sc as plsc

_ROWS, _COLS = 4096, 8192
_NW = 32
_WROWS = _ROWS // _NW
_CR, _CC = 8, 2048
_RB = _WROWS // _CR
_CB = _COLS // _CC
_NCH = _RB * _CB


def _drop_mask(v, perms):
    ai = lax.bitcast_convert_type(v, jnp.int32) & jnp.int32(0x7FFFFFFF)
    b = [ai.at[p].get(mode="promise_in_bounds") > ai for p in perms]
    return (b[0] & b[1]) | (b[2] & (b[0] | b[1]))


@functools.partial(
    pl.kernel,
    out_type=jax.ShapeDtypeStruct((_ROWS, _COLS), jnp.float32),
    mesh=plsc.VectorSubcoreMesh(core_axis_name="c", subcore_axis_name="s"),
    scratch_types=(
        [pltpu.VMEM((_CR, _CC), jnp.float32) for _ in range(4)]
        + [pltpu.SemaphoreType.DMA for _ in range(4)]
    ),
    compiler_params=pltpu.CompilerParams(use_tc_tiling_on_sc=True),
)
def _sc_prune(x_hbm, o_hbm, in0, in1, out0, out1, si0, si1, so0, so1):
    wid = lax.axis_index("s") * 2 + lax.axis_index("c")
    row0 = wid * _WROWS

    lane = lax.iota(jnp.int32, 16)
    perms = [lane ^ 1, lane ^ 2, lane ^ 3]

    ins = (in0, in1)
    outs = (out0, out1)
    sis = (si0, si1)
    sos = (so0, so1)

    def src(ci):
        r = row0 + (ci >> 2) * _CR
        c = (ci & 3) * _CC
        return x_hbm.at[pl.ds(r, _CR), pl.ds(c, _CC)]

    def dst(ci):
        r = row0 + (ci >> 2) * _CR
        c = (ci & 3) * _CC
        return o_hbm.at[pl.ds(r, _CR), pl.ds(c, _CC)]

    pltpu.async_copy(src(0), in0, si0)
    pltpu.async_copy(src(1), in1, si1)

    def compute(buf_in, buf_out):
        @plsc.parallel_loop(0, _CC, step=16, unroll=1)
        def vbody(o):
            for r in range(_CR):
                v = buf_in[r, pl.ds(o, 16)]
                drop = _drop_mask(v, perms)
                buf_out[r, pl.ds(o, 16)] = jnp.where(drop, 0.0, v)

    def pair_body(g, carry):
        for b in range(2):
            ci = g * 2 + b
            pltpu.make_async_copy(src(ci), ins[b], sis[b]).wait()
            @pl.when(g > 0)
            def _():
                pltpu.make_async_copy(outs[b], dst(ci - 2), sos[b]).wait()

            compute(ins[b], outs[b])

            @pl.when(g < _NCH // 2 - 1)
            def _():
                pltpu.async_copy(src(ci + 2), ins[b], sis[b])

            pltpu.async_copy(outs[b], dst(ci), sos[b])
        return carry

    lax.fori_loop(0, _NCH // 2, pair_body, 0)

    pltpu.make_async_copy(out0, dst(_NCH - 2), so0).wait()
    pltpu.make_async_copy(out1, dst(_NCH - 1), so1).wait()


def kernel(inputs, mask, update_mask, apply_mask, num_update_sparsity):
    del mask, update_mask, apply_mask, num_update_sparsity
    return _sc_prune(inputs)

# --- scband reference (transcript-rebuilt; emitter-appended) ---
"""Pipeline reference for scband-sparsity-48009144435553 (READ-ONLY COPY).

The authoritative reference and input builder live on the scoring server;
editing this copy changes nothing except your own understanding.
"""

import jax, jax.numpy as jnp
import numpy as np

N_SP, M_SP = 2, 4


def get_pruning_n_m_mask(inputs, n, m):
    if n > m:
        raise ValueError('N must be lower than M')
    length = inputs.size
    if length % m != 0:
        raise ValueError('inputs size must be divisible by m')
    group = int(length / m)
    a = jnp.abs(inputs)
    a_temp = a.reshape(group, m)
    mask0 = jnp.zeros(a_temp.shape, dtype=bool)
    _, top_k_indices = jax.lax.top_k(a_temp, k=m - n)
    mask = jax.vmap(lambda x, i: x.at[i].set(True))(mask0, top_k_indices)
    return mask.reshape(inputs.shape)


def setup_inputs(seed: int = 0):
    key = jax.random.key(seed)
    inputs = jax.random.normal(key, (4096, 8192), dtype=jnp.float32)
    # flax 'sparsity' collection variable: mask initialized to all-ones (no pruning)
    mask = jnp.ones((4096, 8192), dtype=bool)
    return {
        'inputs': inputs,
        'mask': mask,
        'update_mask': True,
        'apply_mask': True,
        'num_update_sparsity': 0,
    }


def reference(inputs, mask, update_mask, apply_mask, num_update_sparsity):
    # STRUCTURED_NM path, structure_decay=False, mask_decay_weight=0.0, sparse_ste=False
    n_sparsity, m_sparsity = N_SP, M_SP
    mask_decay_value = 1.0
    pruned_mask = get_pruning_n_m_mask(inputs, n_sparsity, m_sparsity)
    updated_mask = jnp.where(update_mask, pruned_mask, mask)
    masked_out = updated_mask.astype(inputs.dtype) * mask_decay_value * inputs
    out = jnp.where(apply_mask, masked_out, inputs)
    return out

if __name__ == "__main__":
    import jax
    _d = setup_inputs()
    print(jax.jit(kernel)(*tuple(_d.values())))

</pallas_src>

<mosaic_0001>
#map = affine_map<(d0, d1) -> (0, 0)>
module attributes {stable_mosaic.version = 14 : i64} {
  func.func @_sc_prune(%arg0: i32, %arg1: i32, %arg2: memref<4096x8192xf32, #tpu.memory_space<hbm>>, %arg3: memref<4096x8192xf32, #tpu.memory_space<hbm>>, %arg4: memref<8x2048xf32, #tpu.memory_space<vmem>>, %arg5: memref<8x2048xf32, #tpu.memory_space<vmem>>, %arg6: memref<8x2048xf32, #tpu.memory_space<vmem>>, %arg7: memref<8x2048xf32, #tpu.memory_space<vmem>>, %arg8: memref<!tpu.dma_semaphore, #tpu.memory_space<semaphore_mem>>, %arg9: memref<!tpu.dma_semaphore, #tpu.memory_space<semaphore_mem>>, %arg10: memref<!tpu.dma_semaphore, #tpu.memory_space<semaphore_mem>>, %arg11: memref<!tpu.dma_semaphore, #tpu.memory_space<semaphore_mem>>) attributes {dimension_semantics = [#tpu.dimension_semantics<core_parallel>, #tpu.dimension_semantics<subcore_parallel>], iteration_bounds = array<i64: 2, 16>, scalar_prefetch = 0 : i64, scratch_operands = 8 : i64, tpu.core_type = #tpu.core_type<sc_vector_subcore>, window_params = [{transform_indices = #map}, {transform_indices = #map}]} {
    %mul3A = arith.constant 2 : i32
    %mul3A_0 = arith.muli %arg1, %mul3A : i32
    %add3A = arith.addi %mul3A_0, %arg0 : i32
    %mul3A_1 = arith.constant 128 : i32
    %mul3A_2 = arith.muli %add3A, %mul3A_1 : i32
    %iota3A = tpu.iota {dimensions = array<i32: 0>} : vector<16xi32>
    %xor3A = arith.constant 1 : i32
    %xor3A_3 = vector.broadcast %xor3A : i32 to vector<16xi32>
    %xor3A_4 = arith.xori %iota3A, %xor3A_3 : vector<16xi32>
    %xor3A_5 = arith.constant 2 : i32
    %xor3A_6 = vector.broadcast %xor3A_5 : i32 to vector<16xi32>
    %xor3A_7 = arith.xori %iota3A, %xor3A_6 : vector<16xi32>
    %xor3A_8 = arith.constant 3 : i32
    %xor3A_9 = vector.broadcast %xor3A_8 : i32 to vector<16xi32>
    %xor3A_10 = arith.xori %iota3A, %xor3A_9 : vector<16xi32>
    %add3A_11 = arith.constant 0 : i32
    %add3A_12 = arith.addi %mul3A_2, %add3A_11 : i32
    %dma_start3A = arith.constant 0 : i32
    %dma_start3A_13 = tpu.memref_slice %arg2[%add3A_12, %dma_start3A] : memref<4096x8192xf32, #tpu.memory_space<hbm>> -> memref<8x2048xf32, #tpu.memory_space<hbm>>
    %dma_start3A_14 = arith.constant 0 : i32
    %dma_start3A_15 = tpu.memref_slice %arg2[%add3A_12, %dma_start3A_14] : memref<4096x8192xf32, #tpu.memory_space<hbm>> -> memref<8x2048xf32, #tpu.memory_space<hbm>>
    tpu.enqueue_dma source(%dma_start3A_15 : memref<8x2048xf32, #tpu.memory_space<hbm>>) target(%arg4 : memref<8x2048xf32, #tpu.memory_space<vmem>>) target_semaphore(%arg8 : memref<!tpu.dma_semaphore, #tpu.memory_space<semaphore_mem>>)
    %add3A_16 = arith.constant 0 : i32
    %add3A_17 = arith.addi %mul3A_2, %add3A_16 : i32
    %dma_start3A_18 = arith.constant 2048 : i32
    %dma_start3A_19 = tpu.memref_slice %arg2[%add3A_17, %dma_start3A_18] : memref<4096x8192xf32, #tpu.memory_space<hbm>> -> memref<8x2048xf32, #tpu.memory_space<hbm>>
    %dma_start3A_20 = arith.constant 2048 : i32
    %dma_start3A_21 = tpu.memref_slice %arg2[%add3A_17, %dma_start3A_20] : memref<4096x8192xf32, #tpu.memory_space<hbm>> -> memref<8x2048xf32, #tpu.memory_space<hbm>>
    tpu.enqueue_dma source(%dma_start3A_21 : memref<8x2048xf32, #tpu.memory_space<hbm>>) target(%arg5 : memref<8x2048xf32, #tpu.memory_space<vmem>>) target_semaphore(%arg9 : memref<!tpu.dma_semaphore, #tpu.memory_space<semaphore_mem>>)
    %scan3A = arith.constant 0 : i32
    %scan3A_22 = arith.constant 0 : i32
    %scan3A_23 = arith.constant 32 : i32
    %scan3A_24 = arith.addi %scan3A_22, %scan3A_23 : i32
    %scan3A_25 = arith.constant 1 : i32
    scf.for %scan3A_38 = %scan3A_22 to %scan3A_24 step %scan3A_25  : i32 {
      %mul3A_39 = arith.constant 2 : i32
      %mul3A_40 = arith.muli %scan3A_38, %mul3A_39 : i32
      %add3A_41 = arith.constant 0 : i32
      %add3A_42 = arith.addi %mul3A_40, %add3A_41 : i32
      %shift_right_arithmetic3A = arith.constant 2 : i32
      %shift_right_arithmetic3A_43 = arith.shrsi %add3A_42, %shift_right_arithmetic3A : i32
      %mul3A_44 = arith.constant 8 : i32
      %mul3A_45 = arith.muli %shift_right_arithmetic3A_43, %mul3A_44 : i32
      %add3A_46 = arith.addi %mul3A_2, %mul3A_45 : i32
      %and3A = arith.constant 3 : i32
      %and3A_47 = arith.andi %add3A_42, %and3A : i32
      %mul3A_48 = arith.constant 2048 : i32
      %mul3A_49 = arith.muli %and3A_47, %mul3A_48 : i32
      %dma_wait3A_50 = tpu.memref_slice %arg2[%add3A_46, %mul3A_49] : memref<4096x8192xf32, #tpu.memory_space<hbm>> -> memref<8x2048xf32, #tpu.memory_space<hbm>>
      %dma_wait3A_51 = tpu.memref_slice %arg2[%add3A_46, %mul3A_49] : memref<4096x8192xf32, #tpu.memory_space<hbm>> -> memref<8x2048xf32, #tpu.memory_space<hbm>>
      tpu.wait_dma2 semaphore(%arg8 : memref<!tpu.dma_semaphore, #tpu.memory_space<semaphore_mem>>) src(%dma_wait3A_51 : memref<8x2048xf32, #tpu.memory_space<hbm>>) dst(%arg4 : memref<8x2048xf32, #tpu.memory_space<vmem>>)
      %gt3A = arith.constant 0 : i32
      %gt3A_52 = arith.cmpi sgt, %scan3A_38, %gt3A : i32
      %convert_element_type3A = arith.extui %gt3A_52 : i1 to i32
      %cond3A = arith.constant 0 : i32
      %cond3A_53 = arith.cmpi ne, %convert_element_type3A, %cond3A : i32
      scf.if %cond3A_53 {
        %sub3A = arith.constant 2 : i32
        %sub3A_110 = arith.subi %add3A_42, %sub3A : i32
        %shift_right_arithmetic3A_111 = arith.constant 2 : i32
        %shift_right_arithmetic3A_112 = arith.shrsi %sub3A_110, %shift_right_arithmetic3A_111 : i32
        %mul3A_113 = arith.constant 8 : i32
        %mul3A_114 = arith.muli %shift_right_arithmetic3A_112, %mul3A_113 : i32
        %add3A_115 = arith.addi %mul3A_2, %mul3A_114 : i32
        %and3A_116 = arith.constant 3 : i32
        %and3A_117 = arith.andi %sub3A_110, %and3A_116 : i32
        %mul3A_118 = arith.constant 2048 : i32
        %mul3A_119 = arith.muli %and3A_117, %mul3A_118 : i32
        %dma_wait3A_120 = tpu.memref_slice %arg3[%add3A_115, %mul3A_119] : memref<4096x8192xf32, #tpu.memory_space<hbm>> -> memref<8x2048xf32, #tpu.memory_space<hbm>>
        %dma_wait3A_121 = tpu.memref_slice %arg3[%add3A_115, %mul3A_119] : memref<4096x8192xf32, #tpu.memory_space<hbm>> -> memref<8x2048xf32, #tpu.memory_space<hbm>>
        tpu.wait_dma2 semaphore(%arg10 : memref<!tpu.dma_semaphore, #tpu.memory_space<semaphore_mem>>) src(%arg6 : memref<8x2048xf32, #tpu.memory_space<vmem>>) dst(%dma_wait3A_121 : memref<8x2048xf32, #tpu.memory_space<hbm>>)
      } else {
      }
      %parallel_loop3A = arith.constant 0 : i32
      %parallel_loop3A_54 = arith.constant 2048 : i32
      %parallel_loop3A_55 = arith.constant 16 : i32
      scf.for %parallel_loop3A_110 = %parallel_loop3A to %parallel_loop3A_54 step %parallel_loop3A_55  : i32 {
        %parallel_loop3A_111 = arith.constant 0 : i32
        %parallel_loop3A_112 = arith.index_cast %parallel_loop3A_111 : i32 to index
        %parallel_loop3A_113 = arith.index_cast %parallel_loop3A_110 : i32 to index
        %parallel_loop3A_114 = tpu.vector_load %arg4[%parallel_loop3A_112, %parallel_loop3A_113] {strides = array<i32>} : memref<8x2048xf32, #tpu.memory_space<vmem>>, vector<1x16xf32>,
        %parallel_loop3A_115 = vector.shape_cast %parallel_loop3A_114 : vector<1x16xf32> to vector<16xf32>
        %parallel_loop3A_116 = tpu.bitcast %parallel_loop3A_115 : vector<16xf32> -> vector<16xi32>
        %parallel_loop3A_117 = arith.constant 2147483647 : i32
        %parallel_loop3A_118 = vector.broadcast %parallel_loop3A_117 : i32 to vector<16xi32>
        %parallel_loop3A_119 = arith.andi %parallel_loop3A_116, %parallel_loop3A_118 : vector<16xi32>
        %parallel_loop3A_120 = arith.constant 0 : i32
        %parallel_loop3A_121 = vector.broadcast %parallel_loop3A_120 : i32 to vector<16xi32>
        %parallel_loop3A_122 = arith.cmpi slt, %xor3A_4, %parallel_loop3A_121 : vector<16xi32>
        %parallel_loop3A_123 = arith.constant 16 : i32
        %parallel_loop3A_124 = vector.broadcast %parallel_loop3A_123 : i32 to vector<16xi32>
        %parallel_loop3A_125 = arith.addi %xor3A_4, %parallel_loop3A_124 : vector<16xi32>
        %parallel_loop3A_126 = arith.select %parallel_loop3A_122, %parallel_loop3A_125, %xor3A_4 : vector<16xi1>, vector<16xi32>
        %parallel_loop3A_127 = vector.shape_cast %parallel_loop3A_126 : vector<16xi32> to vector<16x1xi32>
        %parallel_loop3A_128 = vector.shape_cast %parallel_loop3A_127 : vector<16x1xi32> to vector<16xi32>
        %parallel_loop3A_129 = tpu.dynamic_gather %parallel_loop3A_119[%parallel_loop3A_128] in [0] : vector<16xi32>, vector<16xi32> -> vector<16xi32>
        %parallel_loop3A_130 = arith.cmpi sgt, %parallel_loop3A_129, %parallel_loop3A_119 : vector<16xi32>
        %parallel_loop3A_131 = arith.constant 0 : i32
        %parallel_loop3A_132 = vector.broadcast %parallel_loop3A_131 : i32 to vector<16xi32>
        %parallel_loop3A_133 = arith.cmpi slt, %xor3A_7, %parallel_loop3A_132 : vector<16xi32>
        %parallel_loop3A_134 = arith.constant 16 : i32
        %parallel_loop3A_135 = vector.broadcast %parallel_loop3A_134 : i32 to vector<16xi32>
        %parallel_loop3A_136 = arith.addi %xor3A_7, %parallel_loop3A_135 : vector<16xi32>
        %parallel_loop3A_137 = arith.select %parallel_loop3A_133, %parallel_loop3A_136, %xor3A_7 : vector<16xi1>, vector<16xi32>
        %parallel_loop3A_138 = vector.shape_cast %parallel_loop3A_137 : vector<16xi32> to vector<16x1xi32>
        %parallel_loop3A_139 = vector.shape_cast %parallel_loop3A_138 : vector<16x1xi32> to vector<16xi32>
        %parallel_loop3A_140 = tpu.dynamic_gather %parallel_loop3A_119[%parallel_loop3A_139] in [0] : vector<16xi32>, vector<16xi32> -> vector<16xi32>
        %parallel_loop3A_141 = arith.cmpi sgt, %parallel_loop3A_140, %parallel_loop3A_119 : vector<16xi32>
        %parallel_loop3A_142 = arith.constant 0 : i32
        %parallel_loop3A_143 = vector.broadcast %parallel_loop3A_142 : i32 to vector<16xi32>
        %parallel_loop3A_144 = arith.cmpi slt, %xor3A_10, %parallel_loop3A_143 : vector<16xi32>
        %parallel_loop3A_145 = arith.constant 16 : i32
        %parallel_loop3A_146 = vector.broadcast %parallel_loop3A_145 : i32 to vector<16xi32>
        %parallel_loop3A_147 = arith.addi %xor3A_10, %parallel_loop3A_146 : vector<16xi32>
        %parallel_loop3A_148 = arith.select %parallel_loop3A_144, %parallel_loop3A_147, %xor3A_10 : vector<16xi1>, vector<16xi32>
        %parallel_loop3A_149 = vector.shape_cast %parallel_loop3A_148 : vector<16xi32> to vector<16x1xi32>
        %parallel_loop3A_150 = vector.shape_cast %parallel_loop3A_149 : vector<16x1xi32> to vector<16xi32>
        %parallel_loop3A_151 = tpu.dynamic_gather %parallel_loop3A_119[%parallel_loop3A_150] in [0] : vector<16xi32>, vector<16xi32> -> vector<16xi32>
        %parallel_loop3A_152 = arith.cmpi sgt, %parallel_loop3A_151, %parallel_loop3A_119 : vector<16xi32>
        %parallel_loop3A_153 = arith.andi %parallel_loop3A_130, %parallel_loop3A_141 : vector<16xi1>
        %parallel_loop3A_154 = arith.ori %parallel_loop3A_130, %parallel_loop3A_141 : vector<16xi1>
        %parallel_loop3A_155 = arith.andi %parallel_loop3A_152, %parallel_loop3A_154 : vector<16xi1>
        %parallel_loop3A_156 = arith.ori %parallel_loop3A_153, %parallel_loop3A_155 : vector<16xi1>
        %parallel_loop3A_157 = arith.constant 0.000000e+00 : f32
        %parallel_loop3A_158 = vector.broadcast %parallel_loop3A_157 : f32 to vector<16xf32>
        %parallel_loop3A_159 = arith.select %parallel_loop3A_156, %parallel_loop3A_158, %parallel_loop3A_115 : vector<16xi1>, vector<16xf32>
        %parallel_loop3A_160 = arith.constant 0 : i32
        %parallel_loop3A_161 = arith.index_cast %parallel_loop3A_160 : i32 to index
        %parallel_loop3A_162 = arith.index_cast %parallel_loop3A_110 : i32 to index
        %parallel_loop3A_163 = tpu.vector_load %arg6[%parallel_loop3A_161, %parallel_loop3A_162] {strides = array<i32>} : memref<8x2048xf32, #tpu.memory_space<vmem>>, vector<1x16xf32>,
        %parallel_loop3A_164 = vector.shape_cast %parallel_loop3A_163 : vector<1x16xf32> to vector<16xf32>
        %parallel_loop3A_165 = vector.shape_cast %parallel_loop3A_159 : vector<16xf32> to vector<1x16xf32>
        tpu.vector_store %arg6[%parallel_loop3A_161, %parallel_loop3A_162], %parallel_loop3A_165 {strides = array<i32>} : memref<8x2048xf32, #tpu.memory_space<vmem>>, vector<1x16xf32>,
        %parallel_loop3A_166 = arith.constant 1 : i32
        %parallel_loop3A_167 = arith.index_cast %parallel_loop3A_166 : i32 to index
        %parallel_loop3A_168 = arith.index_cast %parallel_loop3A_110 : i32 to index
        %parallel_loop3A_169 = tpu.vector_load %arg4[%parallel_loop3A_167, %parallel_loop3A_168] {strides = array<i32>} : memref<8x2048xf32, #tpu.memory_space<vmem>>, vector<1x16xf32>,
        %parallel_loop3A_170 = vector.shape_cast %parallel_loop3A_169 : vector<1x16xf32> to vector<16xf32>
        %parallel_loop3A_171 = tpu.bitcast %parallel_loop3A_170 : vector<16xf32> -> vector<16xi32>
        %parallel_loop3A_172 = arith.constant 2147483647 : i32
        %parallel_loop3A_173 = vector.broadcast %parallel_loop3A_172 : i32 to vector<16xi32>
        %parallel_loop3A_174 = arith.andi %parallel_loop3A_171, %parallel_loop3A_173 : vector<16xi32>
        %parallel_loop3A_175 = arith.constant 0 : i32
        %parallel_loop3A_176 = vector.broadcast %parallel_loop3A_175 : i32 to vector<16xi32>
        %parallel_loop3A_177 = arith.cmpi slt, %xor3A_4, %parallel_loop3A_176 : vector<16xi32>
        %parallel_loop3A_178 = arith.constant 16 : i32
        %parallel_loop3A_179 = vector.broadcast %parallel_loop3A_178 : i32 to vector<16xi32>
        %parallel_loop3A_180 = arith.addi %xor3A_4, %parallel_loop3A_179 : vector<16xi32>
        %parallel_loop3A_181 = arith.select %parallel_loop3A_177, %parallel_loop3A_180, %xor3A_4 : vector<16xi1>, vector<16xi32>
        %parallel_loop3A_182 = vector.shape_cast %parallel_loop3A_181 : vector<16xi32> to vector<16x1xi32>
        %parallel_loop3A_183 = vector.shape_cast %parallel_loop3A_182 : vector<16x1xi32> to vector<16xi32>
        %parallel_loop3A_184 = tpu.dynamic_gather %parallel_loop3A_174[%parallel_loop3A_183] in [0] : vector<16xi32>, vector<16xi32> -> vector<16xi32>
        %parallel_loop3A_185 = arith.cmpi sgt, %parallel_loop3A_184, %parallel_loop3A_174 : vector<16xi32>
        %parallel_loop3A_186 = arith.constant 0 : i32
        %parallel_loop3A_187 = vector.broadcast %parallel_loop3A_186 : i32 to vector<16xi32>
        %parallel_loop3A_188 = arith.cmpi slt, %xor3A_7, %parallel_loop3A_187 : vector<16xi32>
        %parallel_loop3A_189 = arith.constant 16 : i32
        %parallel_loop3A_190 = vector.broadcast %parallel_loop3A_189 : i32 to vector<16xi32>
        %parallel_loop3A_191 = arith.addi %xor3A_7, %parallel_loop3A_190 : vector<16xi32>
        %parallel_loop3A_192 = arith.select %parallel_loop3A_188, %parallel_loop3A_191, %xor3A_7 : vector<16xi1>, vector<16xi32>
        %parallel_loop3A_193 = vector.shape_cast %parallel_loop3A_192 : vector<16xi32> to vector<16x1xi32>
        %parallel_loop3A_194 = vector.shape_cast %parallel_loop3A_193 : vector<16x1xi32> to vector<16xi32>
        %parallel_loop3A_195 = tpu.dynamic_gather %parallel_loop3A_174[%parallel_loop3A_194] in [0] : vector<16xi32>, vector<16xi32> -> vector<16xi32>
        %parallel_loop3A_196 = arith.cmpi sgt, %parallel_loop3A_195, %parallel_loop3A_174 : vector<16xi32>
        %parallel_loop3A_197 = arith.constant 0 : i32
        %parallel_loop3A_198 = vector.broadcast %parallel_loop3A_197 : i32 to vector<16xi32>
        %parallel_loop3A_199 = arith.cmpi slt, %xor3A_10, %parallel_loop3A_198 : vector<16xi32>
        %parallel_loop3A_200 = arith.constant 16 : i32
        %parallel_loop3A_201 = vector.broadcast %parallel_loop3A_200 : i32 to vector<16xi32>
        %parallel_loop3A_202 = arith.addi %xor3A_10, %parallel_loop3A_201 : vector<16xi32>
        %parallel_loop3A_203 = arith.select %parallel_loop3A_199, %parallel_loop3A_202, %xor3A_10 : vector<16xi1>, vector<16xi32>
        %parallel_loop3A_204 = vector.shape_cast %parallel_loop3A_203 : vector<16xi32> to vector<16x1xi32>
        %parallel_loop3A_205 = vector.shape_cast %parallel_loop3A_204 : vector<16x1xi32> to vector<16xi32>
        %parallel_loop3A_206 = tpu.dynamic_gather %parallel_loop3A_174[%parallel_loop3A_205] in [0] : vector<16xi32>, vector<16xi32> -> vector<16xi32>
        %parallel_loop3A_207 = arith.cmpi sgt, %parallel_loop3A_206, %parallel_loop3A_174 : vector<16xi32>
        %parallel_loop3A_208 = arith.andi %parallel_loop3A_185, %parallel_loop3A_196 : vector<16xi1>
        %parallel_loop3A_209 = arith.ori %parallel_loop3A_185, %parallel_loop3A_196 : vector<16xi1>
        %parallel_loop3A_210 = arith.andi %parallel_loop3A_207, %parallel_loop3A_209 : vector<16xi1>
        %parallel_loop3A_211 = arith.ori %parallel_loop3A_208, %parallel_loop3A_210 : vector<16xi1>
        %parallel_loop3A_212 = arith.constant 0.000000e+00 : f32
        %parallel_loop3A_213 = vector.broadcast %parallel_loop3A_212 : f32 to vector<16xf32>
        %parallel_loop3A_214 = arith.select %parallel_loop3A_211, %parallel_loop3A_213, %parallel_loop3A_170 : vector<16xi1>, vector<16xf32>
        %parallel_loop3A_215 = arith.constant 1 : i32
        %parallel_loop3A_216 = arith.index_cast %parallel_loop3A_215 : i32 to index
        %parallel_loop3A_217 = arith.index_cast %parallel_loop3A_110 : i32 to index
        %parallel_loop3A_218 = tpu.vector_load %arg6[%parallel_loop3A_216, %parallel_loop3A_217] {strides = array<i32>} : memref<8x2048xf32, #tpu.memory_space<vmem>>, vector<1x16xf32>,
        %parallel_loop3A_219 = vector.shape_cast %parallel_loop3A_218 : vector<1x16xf32> to vector<16xf32>
        %parallel_loop3A_220 = vector.shape_cast %parallel_loop3A_214 : vector<16xf32> to vector<1x16xf32>
        tpu.vector_store %arg6[%parallel_loop3A_216, %parallel_loop3A_217], %parallel_loop3A_220 {strides = array<i32>} : memref<8x2048xf32, #tpu.memory_space<vmem>>, vector<1x16xf32>,
        %parallel_loop3A_221 = arith.constant 2 : i32
        %parallel_loop3A_222 = arith.index_cast %parallel_loop3A_221 : i32 to index
        %parallel_loop3A_223 = arith.index_cast %parallel_loop3A_110 : i32 to index
        %parallel_loop3A_224 = tpu.vector_load %arg4[%parallel_loop3A_222, %parallel_loop3A_223] {strides = array<i32>} : memref<8x2048xf32, #tpu.memory_space<vmem>>, vector<1x16xf32>,
        %parallel_loop3A_225 = vector.shape_cast %parallel_loop3A_224 : vector<1x16xf32> to vector<16xf32>
        %parallel_loop3A_226 = tpu.bitcast %parallel_loop3A_225 : vector<16xf32> -> vector<16xi32>
        %parallel_loop3A_227 = arith.constant 2147483647 : i32
        %parallel_loop3A_228 = vector.broadcast %parallel_loop3A_227 : i32 to vector<16xi32>
        %parallel_loop3A_229 = arith.andi %parallel_loop3A_226, %parallel_loop3A_228 : vector<16xi32>
        %parallel_loop3A_230 = arith.constant 0 : i32
        %parallel_loop3A_231 = vector.broadcast %parallel_loop3A_230 : i32 to vector<16xi32>
        %parallel_loop3A_232 = arith.cmpi slt, %xor3A_4, %parallel_loop3A_231 : vector<16xi32>
        %parallel_loop3A_233 = arith.constant 16 : i32
        %parallel_loop3A_234 = vector.broadcast %parallel_loop3A_233 : i32 to vector<16xi32>
        %parallel_loop3A_235 = arith.addi %xor3A_4, %parallel_loop3A_234 : vector<16xi32>
        %parallel_loop3A_236 = arith.select %parallel_loop3A_232, %parallel_loop3A_235, %xor3A_4 : vector<16xi1>, vector<16xi32>
        %parallel_loop3A_237 = vector.shape_cast %parallel_loop3A_236 : vector<16xi32> to vector<16x1xi32>
        %parallel_loop3A_238 = vector.shape_cast %parallel_loop3A_237 : vector<16x1xi32> to vector<16xi32>
        %parallel_loop3A_239 = tpu.dynamic_gather %parallel_loop3A_229[%parallel_loop3A_238] in [0] : vector<16xi32>, vector<16xi32> -> vector<16xi32>
        %parallel_loop3A_240 = arith.cmpi sgt, %parallel_loop3A_239, %parallel_loop3A_229 : vector<16xi32>
        %parallel_loop3A_241 = arith.constant 0 : i32
        %parallel_loop3A_242 = vector.broadcast %parallel_loop3A_241 : i32 to vector<16xi32>
        %parallel_loop3A_243 = arith.cmpi slt, %xor3A_7, %parallel_loop3A_242 : vector<16xi32>
        %parallel_loop3A_244 = arith.constant 16 : i32
        %parallel_loop3A_245 = vector.broadcast %parallel_loop3A_244 : i32 to vector<16xi32>
        %parallel_loop3A_246 = arith.addi %xor3A_7, %parallel_loop3A_245 : vector<16xi32>
        %parallel_loop3A_247 = arith.select %parallel_loop3A_243, %parallel_loop3A_246, %xor3A_7 : vector<16xi1>, vector<16xi32>
        %parallel_loop3A_248 = vector.shape_cast %parallel_loop3A_247 : vector<16xi32> to vector<16x1xi32>
        %parallel_loop3A_249 = vector.shape_cast %parallel_loop3A_248 : vector<16x1xi32> to vector<16xi32>
        %parallel_loop3A_250 = tpu.dynamic_gather %parallel_loop3A_229[%parallel_loop3A_249] in [0] : vector<16xi32>, vector<16xi32> -> vector<16xi32>
        %parallel_loop3A_251 = arith.cmpi sgt, %parallel_loop3A_250, %parallel_loop3A_229 : vector<16xi32>
        %parallel_loop3A_252 = arith.constant 0 : i32
        %parallel_loop3A_253 = vector.broadcast %parallel_loop3A_252 : i32 to vector<16xi32>
        %parallel_loop3A_254 = arith.cmpi slt, %xor3A_10, %parallel_loop3A_253 : vector<16xi32>
        %parallel_loop3A_255 = arith.constant 16 : i32
        %parallel_loop3A_256 = vector.broadcast %parallel_loop3A_255 : i32 to vector<16xi32>
        %parallel_loop3A_257 = arith.addi %xor3A_10, %parallel_loop3A_256 : vector<16xi32>
        %parallel_loop3A_258 = arith.select %parallel_loop3A_254, %parallel_loop3A_257, %xor3A_10 : vector<16xi1>, vector<16xi32>
        %parallel_loop3A_259 = vector.shape_cast %parallel_loop3A_258 : vector<16xi32> to vector<16x1xi32>
        %parallel_loop3A_260 = vector.shape_cast %parallel_loop3A_259 : vector<16x1xi32> to vector<16xi32>
        %parallel_loop3A_261 = tpu.dynamic_gather %parallel_loop3A_229[%parallel_loop3A_260] in [0] : vector<16xi32>, vector<16xi32> -> vector<16xi32>
        %parallel_loop3A_262 = arith.cmpi sgt, %parallel_loop3A_261, %parallel_loop3A_229 : vector<16xi32>
        %parallel_loop3A_263 = arith.andi %parallel_loop3A_240, %parallel_loop3A_251 : vector<16xi1>
        %parallel_loop3A_264 = arith.ori %parallel_loop3A_240, %parallel_loop3A_251 : vector<16xi1>
        %parallel_loop3A_265 = arith.andi %parallel_loop3A_262, %parallel_loop3A_264 : vector<16xi1>
        %parallel_loop3A_266 = arith.ori %parallel_loop3A_263, %parallel_loop3A_265 : vector<16xi1>
        %parallel_loop3A_267 = arith.constant 0.000000e+00 : f32
        %parallel_loop3A_268 = vector.broadcast %parallel_loop3A_267 : f32 to vector<16xf32>
        %parallel_loop3A_269 = arith.select %parallel_loop3A_266, %parallel_loop3A_268, %parallel_loop3A_225 : vector<16xi1>, vector<16xf32>
        %parallel_loop3A_270 = arith.constant 2 : i32
        %parallel_loop3A_271 = arith.index_cast %parallel_loop3A_270 : i32 to index
        %parallel_loop3A_272 = arith.index_cast %parallel_loop3A_110 : i32 to index
        %parallel_loop3A_273 = tpu.vector_load %arg6[%parallel_loop3A_271, %parallel_loop3A_272] {strides = array<i32>} : memref<8x2048xf32, #tpu.memory_space<vmem>>, vector<1x16xf32>,
        %parallel_loop3A_274 = vector.shape_cast %parallel_loop3A_273 : vector<1x16xf32> to vector<16xf32>
        %parallel_loop3A_275 = vector.shape_cast %parallel_loop3A_269 : vector<16xf32> to vector<1x16xf32>
        tpu.vector_store %arg6[%parallel_loop3A_271, %parallel_loop3A_272], %parallel_loop3A_275 {strides = array<i32>} : memref<8x2048xf32, #tpu.memory_space<vmem>>, vector<1x16xf32>,
        %parallel_loop3A_276 = arith.constant 3 : i32
        %parallel_loop3A_277 = arith.index_cast %parallel_loop3A_276 : i32 to index
        %parallel_loop3A_278 = arith.index_cast %parallel_loop3A_110 : i32 to index
        %parallel_loop3A_279 = tpu.vector_load %arg4[%parallel_loop3A_277, %parallel_loop3A_278] {strides = array<i32>} : memref<8x2048xf32, #tpu.memory_space<vmem>>, vector<1x16xf32>,
        %parallel_loop3A_280 = vector.shape_cast %parallel_loop3A_279 : vector<1x16xf32> to vector<16xf32>
        %parallel_loop3A_281 = tpu.bitcast %parallel_loop3A_280 : vector<16xf32> -> vector<16xi32>
        %parallel_loop3A_282 = arith.constant 2147483647 : i32
        %parallel_loop3A_283 = vector.broadcast %parallel_loop3A_282 : i32 to vector<16xi32>
        %parallel_loop3A_284 = arith.andi %parallel_loop3A_281, %parallel_loop3A_283 : vector<16xi32>
        %parallel_loop3A_285 = arith.constant 0 : i32
        %parallel_loop3A_286 = vector.broadcast %parallel_loop3A_285 : i32 to vector<16xi32>
        %parallel_loop3A_287 = arith.cmpi slt, %xor3A_4, %parallel_loop3A_286 : vector<16xi32>
        %parallel_loop3A_288 = arith.constant 16 : i32
        %parallel_loop3A_289 = vector.broadcast %parallel_loop3A_288 : i32 to vector<16xi32>
        %parallel_loop3A_290 = arith.addi %xor3A_4, %parallel_loop3A_289 : vector<16xi32>
        %parallel_loop3A_291 = arith.select %parallel_loop3A_287, %parallel_loop3A_290, %xor3A_4 : vector<16xi1>, vector<16xi32>
        %parallel_loop3A_292 = vector.shape_cast %parallel_loop3A_291 : vector<16xi32> to vector<16x1xi32>
        %parallel_loop3A_293 = vector.shape_cast %parallel_loop3A_292 : vector<16x1xi32> to vector<16xi32>
        %parallel_loop3A_294 = tpu.dynamic_gather %parallel_loop3A_284[%parallel_loop3A_293] in [0] : vector<16xi32>, vector<16xi32> -> vector<16xi32>
        %parallel_loop3A_295 = arith.cmpi sgt, %parallel_loop3A_294, %parallel_loop3A_284 : vector<16xi32>
        %parallel_loop3A_296 = arith.constant 0 : i32
        %parallel_loop3A_297 = vector.broadcast %parallel_loop3A_296 : i32 to vector<16xi32>
        %parallel_loop3A_298 = arith.cmpi slt, %xor3A_7, %parallel_loop3A_297 : vector<16xi32>
        %parallel_loop3A_299 = arith.constant 16 : i32
        %parallel_loop3A_300 = vector.broadcast %parallel_loop3A_299 : i32 to vector<16xi32>
        %parallel_loop3A_301 = arith.addi %xor3A_7, %parallel_loop3A_300 : vector<16xi32>
        %parallel_loop3A_302 = arith.select %parallel_loop3A_298, %parallel_loop3A_301, %xor3A_7 : vector<16xi1>, vector<16xi32>
        %parallel_loop3A_303 = vector.shape_cast %parallel_loop3A_302 : vector<16xi32> to vector<16x1xi32>
        %parallel_loop3A_304 = vector.shape_cast %parallel_loop3A_303 : vector<16x1xi32> to vector<16xi32>
        %parallel_loop3A_305 = tpu.dynamic_gather %parallel_loop3A_284[%parallel_loop3A_304] in [0] : vector<16xi32>, vector<16xi32> -> vector<16xi32>
        %parallel_loop3A_306 = arith.cmpi sgt, %parallel_loop3A_305, %parallel_loop3A_284 : vector<16xi32>
        %parallel_loop3A_307 = arith.constant 0 : i32
        %parallel_loop3A_308 = vector.broadcast %parallel_loop3A_307 : i32 to vector<16xi32>
        %parallel_loop3A_309 = arith.cmpi slt, %xor3A_10, %parallel_loop3A_308 : vector<16xi32>
        %parallel_loop3A_310 = arith.constant 16 : i32
        %parallel_loop3A_311 = vector.broadcast %parallel_loop3A_310 : i32 to vector<16xi32>
        %parallel_loop3A_312 = arith.addi %xor3A_10, %parallel_loop3A_311 : vector<16xi32>
        %parallel_loop3A_313 = arith.select %parallel_loop3A_309, %parallel_loop3A_312, %xor3A_10 : vector<16xi1>, vector<16xi32>
        %parallel_loop3A_314 = vector.shape_cast %parallel_loop3A_313 : vector<16xi32> to vector<16x1xi32>
        %parallel_loop3A_315 = vector.shape_cast %parallel_loop3A_314 : vector<16x1xi32> to vector<16xi32>
        %parallel_loop3A_316 = tpu.dynamic_gather %parallel_loop3A_284[%parallel_loop3A_315] in [0] : vector<16xi32>, vector<16xi32> -> vector<16xi32>
        %parallel_loop3A_317 = arith.cmpi sgt, %parallel_loop3A_316, %parallel_loop3A_284 : vector<16xi32>
        %parallel_loop3A_318 = arith.andi %parallel_loop3A_295, %parallel_loop3A_306 : vector<16xi1>
        %parallel_loop3A_319 = arith.ori %parallel_loop3A_295, %parallel_loop3A_306 : vector<16xi1>
        %parallel_loop3A_320 = arith.andi %parallel_loop3A_317, %parallel_loop3A_319 : vector<16xi1>
        %parallel_loop3A_321 = arith.ori %parallel_loop3A_318, %parallel_loop3A_320 : vector<16xi1>
        %parallel_loop3A_322 = arith.constant 0.000000e+00 : f32
        %parallel_loop3A_323 = vector.broadcast %parallel_loop3A_322 : f32 to vector<16xf32>
        %parallel_loop3A_324 = arith.select %parallel_loop3A_321, %parallel_loop3A_323, %parallel_loop3A_280 : vector<16xi1>, vector<16xf32>
        %parallel_loop3A_325 = arith.constant 3 : i32
        %parallel_loop3A_326 = arith.index_cast %parallel_loop3A_325 : i32 to index
        %parallel_loop3A_327 = arith.index_cast %parallel_loop3A_110 : i32 to index
        %parallel_loop3A_328 = tpu.vector_load %arg6[%parallel_loop3A_326, %parallel_loop3A_327] {strides = array<i32>} : memref<8x2048xf32, #tpu.memory_space<vmem>>, vector<1x16xf32>,
        %parallel_loop3A_329 = vector.shape_cast %parallel_loop3A_328 : vector<1x16xf32> to vector<16xf32>
        %parallel_loop3A_330 = vector.shape_cast %parallel_loop3A_324 : vector<16xf32> to vector<1x16xf32>
        tpu.vector_store %arg6[%parallel_loop3A_326, %parallel_loop3A_327], %parallel_loop3A_330 {strides = array<i32>} : memref<8x2048xf32, #tpu.memory_space<vmem>>, vector<1x16xf32>,
        %parallel_loop3A_331 = arith.constant 4 : i32
        %parallel_loop3A_332 = arith.index_cast %parallel_loop3A_331 : i32 to index
        %parallel_loop3A_333 = arith.index_cast %parallel_loop3A_110 : i32 to index
        %parallel_loop3A_334 = tpu.vector_load %arg4[%parallel_loop3A_332, %parallel_loop3A_333] {strides = array<i32>} : memref<8x2048xf32, #tpu.memory_space<vmem>>, vector<1x16xf32>,
        %parallel_loop3A_335 = vector.shape_cast %parallel_loop3A_334 : vector<1x16xf32> to vector<16xf32>
        %parallel_loop3A_336 = tpu.bitcast %parallel_loop3A_335 : vector<16xf32> -> vector<16xi32>
        %parallel_loop3A_337 = arith.constant 2147483647 : i32
        %parallel_loop3A_338 = vector.broadcast %parallel_loop3A_337 : i32 to vector<16xi32>
        %parallel_loop3A_339 = arith.andi %parallel_loop3A_336, %parallel_loop3A_338 : vector<16xi32>
        %parallel_loop3A_340 = arith.constant 0 : i32
        %parallel_loop3A_341 = vector.broadcast %parallel_loop3A_340 : i32 to vector<16xi32>
        %parallel_loop3A_342 = arith.cmpi slt, %xor3A_4, %parallel_loop3A_341 : vector<16xi32>
        %parallel_loop3A_343 = arith.constant 16 : i32
        %parallel_loop3A_344 = vector.broadcast %parallel_loop3A_343 : i32 to vector<16xi32>
        %parallel_loop3A_345 = arith.addi %xor3A_4, %parallel_loop3A_344 : vector<16xi32>
        %parallel_loop3A_346 = arith.select %parallel_loop3A_342, %parallel_loop3A_345, %xor3A_4 : vector<16xi1>, vector<16xi32>
        %parallel_loop3A_347 = vector.shape_cast %parallel_loop3A_346 : vector<16xi32> to vector<16x1xi32>
        %parallel_loop3A_348 = vector.shape_cast %parallel_loop3A_347 : vector<16x1xi32> to vector<16xi32>
        %parallel_loop3A_349 = tpu.dynamic_gather %parallel_loop3A_339[%parallel_loop3A_348] in [0] : vector<16xi32>, vector<16xi32> -> vector<16xi32>
        %parallel_loop3A_350 = arith.cmpi sgt, %parallel_loop3A_349, %parallel_loop3A_339 : vector<16xi32>
        %parallel_loop3A_351 = arith.constant 0 : i32
        %parallel_loop3A_352 = vector.broadcast %parallel_loop3A_351 : i32 to vector<16xi32>
        %parallel_loop3A_353 = arith.cmpi slt, %xor3A_7, %parallel_loop3A_352 : vector<16xi32>
        %parallel_loop3A_354 = arith.constant 16 : i32
        %parallel_loop3A_355 = vector.broadcast %parallel_loop3A_354 : i32 to vector<16xi32>
        %parallel_loop3A_356 = arith.addi %xor3A_7, %parallel_loop3A_355 : vector<16xi32>
        %parallel_loop3A_357 = arith.select %parallel_loop3A_353, %parallel_loop3A_356, %xor3A_7 : vector<16xi1>, vector<16xi32>
        %parallel_loop3A_358 = vector.shape_cast %parallel_loop3A_357 : vector<16xi32> to vector<16x1xi32>
        %parallel_loop3A_359 = vector.shape_cast %parallel_loop3A_358 : vector<16x1xi32> to vector<16xi32>
        %parallel_loop3A_360 = tpu.dynamic_gather %parallel_loop3A_339[%parallel_loop3A_359] in [0] : vector<16xi32>, vector<16xi32> -> vector<16xi32>
        %parallel_loop3A_361 = arith.cmpi sgt, %parallel_loop3A_360, %parallel_loop3A_339 : vector<16xi32>
        %parallel_loop3A_362 = arith.constant 0 : i32
        %parallel_loop3A_363 = vector.broadcast %parallel_loop3A_362 : i32 to vector<16xi32>
        %parallel_loop3A_364 = arith.cmpi slt, %xor3A_10, %parallel_loop3A_363 : vector<16xi32>
        %parallel_loop3A_365 = arith.constant 16 : i32
        %parallel_loop3A_366 = vector.broadcast %parallel_loop3A_365 : i32 to vector<16xi32>
        %parallel_loop3A_367 = arith.addi %xor3A_10, %parallel_loop3A_366 : vector<16xi32>
        %parallel_loop3A_368 = arith.select %parallel_loop3A_364, %parallel_loop3A_367, %xor3A_10 : vector<16xi1>, vector<16xi32>
        %parallel_loop3A_369 = vector.shape_cast %parallel_loop3A_368 : vector<16xi32> to vector<16x1xi32>
        %parallel_loop3A_370 = vector.shape_cast %parallel_loop3A_369 : vector<16x1xi32> to vector<16xi32>
        %parallel_loop3A_371 = tpu.dynamic_gather %parallel_loop3A_339[%parallel_loop3A_370] in [0] : vector<16xi32>, vector<16xi32> -> vector<16xi32>
        %parallel_loop3A_372 = arith.cmpi sgt, %parallel_loop3A_371, %parallel_loop3A_339 : vector<16xi32>
        %parallel_loop3A_373 = arith.andi %parallel_loop3A_350, %parallel_loop3A_361 : vector<16xi1>
        %parallel_loop3A_374 = arith.ori %parallel_loop3A_350, %parallel_loop3A_361 : vector<16xi1>
        %parallel_loop3A_375 = arith.andi %parallel_loop3A_372, %parallel_loop3A_374 : vector<16xi1>
        %parallel_loop3A_376 = arith.ori %parallel_loop3A_373, %parallel_loop3A_375 : vector<16xi1>
        %parallel_loop3A_377 = arith.constant 0.000000e+00 : f32
        %parallel_loop3A_378 = vector.broadcast %parallel_loop3A_377 : f32 to vector<16xf32>
        %parallel_loop3A_379 = arith.select %parallel_loop3A_376, %parallel_loop3A_378, %parallel_loop3A_335 : vector<16xi1>, vector<16xf32>
        %parallel_loop3A_380 = arith.constant 4 : i32
        %parallel_loop3A_381 = arith.index_cast %parallel_loop3A_380 : i32 to index
        %parallel_loop3A_382 = arith.index_cast %parallel_loop3A_110 : i32 to index
        %parallel_loop3A_383 = tpu.vector_load %arg6[%parallel_loop3A_381, %parallel_loop3A_382] {strides = array<i32>} : memref<8x2048xf32, #tpu.memory_space<vmem>>, vector<1x16xf32>,
        %parallel_loop3A_384 = vector.shape_cast %parallel_loop3A_383 : vector<1x16xf32> to vector<16xf32>
        %parallel_loop3A_385 = vector.shape_cast %parallel_loop3A_379 : vector<16xf32> to vector<1x16xf32>
        tpu.vector_store %arg6[%parallel_loop3A_381, %parallel_loop3A_382], %parallel_loop3A_385 {strides = array<i32>} : memref<8x2048xf32, #tpu.memory_space<vmem>>, vector<1x16xf32>,
        %parallel_loop3A_386 = arith.constant 5 : i32
        %parallel_loop3A_387 = arith.index_cast %parallel_loop3A_386 : i32 to index
        %parallel_loop3A_388 = arith.index_cast %parallel_loop3A_110 : i32 to index
        %parallel_loop3A_389 = tpu.vector_load %arg4[%parallel_loop3A_387, %parallel_loop3A_388] {strides = array<i32>} : memref<8x2048xf32, #tpu.memory_space<vmem>>, vector<1x16xf32>,
        %parallel_loop3A_390 = vector.shape_cast %parallel_loop3A_389 : vector<1x16xf32> to vector<16xf32>
        %parallel_loop3A_391 = tpu.bitcast %parallel_loop3A_390 : vector<16xf32> -> vector<16xi32>
        %parallel_loop3A_392 = arith.constant 2147483647 : i32
        %parallel_loop3A_393 = vector.broadcast %parallel_loop3A_392 : i32 to vector<16xi32>
        %parallel_loop3A_394 = arith.andi %parallel_loop3A_391, %parallel_loop3A_393 : vector<16xi32>
        %parallel_loop3A_395 = arith.constant 0 : i32
        %parallel_loop3A_396 = vector.broadcast %parallel_loop3A_395 : i32 to vector<16xi32>
        %parallel_loop3A_397 = arith.cmpi slt, %xor3A_4, %parallel_loop3A_396 : vector<16xi32>
        %parallel_loop3A_398 = arith.constant 16 : i32
        %parallel_loop3A_399 = vector.broadcast %parallel_loop3A_398 : i32 to vector<16xi32>
        %parallel_loop3A_400 = arith.addi %xor3A_4, %parallel_loop3A_399 : vector<16xi32>
        %parallel_loop3A_401 = arith.select %parallel_loop3A_397, %parallel_loop3A_400, %xor3A_4 : vector<16xi1>, vector<16xi32>
        %parallel_loop3A_402 = vector.shape_cast %parallel_loop3A_401 : vector<16xi32> to vector<16x1xi32>
        %parallel_loop3A_403 = vector.shape_cast %parallel_loop3A_402 : vector<16x1xi32> to vector<16xi32>
        %parallel_loop3A_404 = tpu.dynamic_gather %parallel_loop3A_394[%parallel_loop3A_403] in [0] : vector<16xi32>, vector<16xi32> -> vector<16xi32>
        %parallel_loop3A_405 = arith.cmpi sgt, %parallel_loop3A_404, %parallel_loop3A_394 : vector<16xi32>
        %parallel_loop3A_406 = arith.constant 0 : i32
        %parallel_loop3A_407 = vector.broadcast %parallel_loop3A_406 : i32 to vector<16xi32>
        %parallel_loop3A_408 = arith.cmpi slt, %xor3A_7, %parallel_loop3A_407 : vector<16xi32>
        %parallel_loop3A_409 = arith.constant 16 : i32
        %parallel_loop3A_410 = vector.broadcast %parallel_loop3A_409 : i32 to vector<16xi32>
        %parallel_loop3A_411 = arith.addi %xor3A_7, %parallel_loop3A_410 : vector<16xi32>
        %parallel_loop3A_412 = arith.select %parallel_loop3A_408, %parallel_loop3A_411, %xor3A_7 : vector<16xi1>, vector<16xi32>
        %parallel_loop3A_413 = vector.shape_cast %parallel_loop3A_412 : vector<16xi32> to vector<16x1xi32>
        %parallel_loop3A_414 = vector.shape_cast %parallel_loop3A_413 : vector<16x1xi32> to vector<16xi32>
        %parallel_loop3A_415 = tpu.dynamic_gather %parallel_loop3A_394[%parallel_loop3A_414] in [0] : vector<16xi32>, vector<16xi32> -> vector<16xi32>
        %parallel_loop3A_416 = arith.cmpi sgt, %parallel_loop3A_415, %parallel_loop3A_394 : vector<16xi32>
        %parallel_loop3A_417 = arith.constant 0 : i32
        %parallel_loop3A_418 = vector.broadcast %parallel_loop3A_417 : i32 to vector<16xi32>
        %parallel_loop3A_419 = arith.cmpi slt, %xor3A_10, %parallel_loop3A_418 : vector<16xi32>
        %parallel_loop3A_420 = arith.constant 16 : i32
        %parallel_loop3A_421 = vector.broadcast %parallel_loop3A_420 : i32 to vector<16xi32>
        %parallel_loop3A_422 = arith.addi %xor3A_10, %parallel_loop3A_421 : vector<16xi32>
        %parallel_loop3A_423 = arith.select %parallel_loop3A_419, %parallel_loop3A_422, %xor3A_10 : vector<16xi1>, vector<16xi32>
        %parallel_loop3A_424 = vector.shape_cast %parallel_loop3A_423 : vector<16xi32> to vector<16x1xi32>
        %parallel_loop3A_425 = vector.shape_cast %parallel_loop3A_424 : vector<16x1xi32> to vector<16xi32>
        %parallel_loop3A_426 = tpu.dynamic_gather %parallel_loop3A_394[%parallel_loop3A_425] in [0] : vector<16xi32>, vector<16xi32> -> vector<16xi32>
        %parallel_loop3A_427 = arith.cmpi sgt, %parallel_loop3A_426, %parallel_loop3A_394 : vector<16xi32>
        %parallel_loop3A_428 = arith.andi %parallel_loop3A_405, %parallel_loop3A_416 : vector<16xi1>
        %parallel_loop3A_429 = arith.ori %parallel_loop3A_405, %parallel_loop3A_416 : vector<16xi1>
        %parallel_loop3A_430 = arith.andi %parallel_loop3A_427, %parallel_loop3A_429 : vector<16xi1>
        %parallel_loop3A_431 = arith.ori %parallel_loop3A_428, %parallel_loop3A_430 : vector<16xi1>
        %parallel_loop3A_432 = arith.constant 0.000000e+00 : f32
        %parallel_loop3A_433 = vector.broadcast %parallel_loop3A_432 : f32 to vector<16xf32>
        %parallel_loop3A_434 = arith.select %parallel_loop3A_431, %parallel_loop3A_433, %parallel_loop3A_390 : vector<16xi1>, vector<16xf32>
        %parallel_loop3A_435 = arith.constant 5 : i32
        %parallel_loop3A_436 = arith.index_cast %parallel_loop3A_435 : i32 to index
        %parallel_loop3A_437 = arith.index_cast %parallel_loop3A_110 : i32 to index
        %parallel_loop3A_438 = tpu.vector_load %arg6[%parallel_loop3A_436, %parallel_loop3A_437] {strides = array<i32>} : memref<8x2048xf32, #tpu.memory_space<vmem>>, vector<1x16xf32>,
        %parallel_loop3A_439 = vector.shape_cast %parallel_loop3A_438 : vector<1x16xf32> to vector<16xf32>
        %parallel_loop3A_440 = vector.shape_cast %parallel_loop3A_434 : vector<16xf32> to vector<1x16xf32>
        tpu.vector_store %arg6[%parallel_loop3A_436, %parallel_loop3A_437], %parallel_loop3A_440 {strides = array<i32>} : memref<8x2048xf32, #tpu.memory_space<vmem>>, vector<1x16xf32>,
        %parallel_loop3A_441 = arith.constant 6 : i32
        %parallel_loop3A_442 = arith.index_cast %parallel_loop3A_441 : i32 to index
        %parallel_loop3A_443 = arith.index_cast %parallel_loop3A_110 : i32 to index
        %parallel_loop3A_444 = tpu.vector_load %arg4[%parallel_loop3A_442, %parallel_loop3A_443] {strides = array<i32>} : memref<8x2048xf32, #tpu.memory_space<vmem>>, vector<1x16xf32>,
        %parallel_loop3A_445 = vector.shape_cast %parallel_loop3A_444 : vector<1x16xf32> to vector<16xf32>
        %parallel_loop3A_446 = tpu.bitcast %parallel_loop3A_445 : vector<16xf32> -> vector<16xi32>
        %parallel_loop3A_447 = arith.constant 2147483647 : i32
        %parallel_loop3A_448 = vector.broadcast %parallel_loop3A_447 : i32 to vector<16xi32>
        %parallel_loop3A_449 = arith.andi %parallel_loop3A_446, %parallel_loop3A_448 : vector<16xi32>
        %parallel_loop3A_450 = arith.constant 0 : i32
        %parallel_loop3A_451 = vector.broadcast %parallel_loop3A_450 : i32 to vector<16xi32>
        %parallel_loop3A_452 = arith.cmpi slt, %xor3A_4, %parallel_loop3A_451 : vector<16xi32>
        %parallel_loop3A_453 = arith.constant 16 : i32
        %parallel_loop3A_454 = vector.broadcast %parallel_loop3A_453 : i32 to vector<16xi32>
        %parallel_loop3A_455 = arith.addi %xor3A_4, %parallel_loop3A_454 : vector<16xi32>
        %parallel_loop3A_456 = arith.select %parallel_loop3A_452, %parallel_loop3A_455, %xor3A_4 : vector<16xi1>, vector<16xi32>
        %parallel_loop3A_457 = vector.shape_cast %parallel_loop3A_456 : vector<16xi32> to vector<16x1xi32>
        %parallel_loop3A_458 = vector.shape_cast %parallel_loop3A_457 : vector<16x1xi32> to vector<16xi32>
        %parallel_loop3A_459 = tpu.dynamic_gather %parallel_loop3A_449[%parallel_loop3A_458] in [0] : vector<16xi32>, vector<16xi32> -> vector<16xi32>
        %parallel_loop3A_460 = arith.cmpi sgt, %parallel_loop3A_459, %parallel_loop3A_449 : vector<16xi32>
        %parallel_loop3A_461 = arith.constant 0 : i32
        %parallel_loop3A_462 = vector.broadcast %parallel_loop3A_461 : i32 to vector<16xi32>
        %parallel_loop3A_463 = arith.cmpi slt, %xor3A_7, %parallel_loop3A_462 : vector<16xi32>
        %parallel_loop3A_464 = arith.constant 16 : i32
        %parallel_loop3A_465 = vector.broadcast %parallel_loop3A_464 : i32 to vector<16xi32>
        %parallel_loop3A_466 = arith.addi %xor3A_7, %parallel_loop3A_465 : vector<16xi32>
        %parallel_loop3A_467 = arith.select %parallel_loop3A_463, %parallel_loop3A_466, %xor3A_7 : vector<16xi1>, vector<16xi32>
        %parallel_loop3A_468 = vector.shape_cast %parallel_loop3A_467 : vector<16xi32> to vector<16x1xi32>
        %parallel_loop3A_469 = vector.shape_cast %parallel_loop3A_468 : vector<16x1xi32> to vector<16xi32>
        %parallel_loop3A_470 = tpu.dynamic_gather %parallel_loop3A_449[%parallel_loop3A_469] in [0] : vector<16xi32>, vector<16xi32> -> vector<16xi32>
        %parallel_loop3A_471 = arith.cmpi sgt, %parallel_loop3A_470, %parallel_loop3A_449 : vector<16xi32>
        %parallel_loop3A_472 = arith.constant 0 : i32
        %parallel_loop3A_473 = vector.broadcast %parallel_loop3A_472 : i32 to vector<16xi32>
        %parallel_loop3A_474 = arith.cmpi slt, %xor3A_10, %parallel_loop3A_473 : vector<16xi32>
        %parallel_loop3A_475 = arith.constant 16 : i32
        %parallel_loop3A_476 = vector.broadcast %parallel_loop3A_475 : i32 to vector<16xi32>
        %parallel_loop3A_477 = arith.addi %xor3A_10, %parallel_loop3A_476 : vector<16xi32>
        %parallel_loop3A_478 = arith.select %parallel_loop3A_474, %parallel_loop3A_477, %xor3A_10 : vector<16xi1>, vector<16xi32>
        %parallel_loop3A_479 = vector.shape_cast %parallel_loop3A_478 : vector<16xi32> to vector<16x1xi32>
        %parallel_loop3A_480 = vector.shape_cast %parallel_loop3A_479 : vector<16x1xi32> to vector<16xi32>
        %parallel_loop3A_481 = tpu.dynamic_gather %parallel_loop3A_449[%parallel_loop3A_480] in [0] : vector<16xi32>, vector<16xi32> -> vector<16xi32>
        %parallel_loop3A_482 = arith.cmpi sgt, %parallel_loop3A_481, %parallel_loop3A_449 : vector<16xi32>
        %parallel_loop3A_483 = arith.andi %parallel_loop3A_460, %parallel_loop3A_471 : vector<16xi1>
        %parallel_loop3A_484 = arith.ori %parallel_loop3A_460, %parallel_loop3A_471 : vector<16xi1>
        %parallel_loop3A_485 = arith.andi %parallel_loop3A_482, %parallel_loop3A_484 : vector<16xi1>
        %parallel_loop3A_486 = arith.ori %parallel_loop3A_483, %parallel_loop3A_485 : vector<16xi1>
        %parallel_loop3A_487 = arith.constant 0.000000e+00 : f32
        %parallel_loop3A_488 = vector.broadcast %parallel_loop3A_487 : f32 to vector<16xf32>
        %parallel_loop3A_489 = arith.select %parallel_loop3A_486, %parallel_loop3A_488, %parallel_loop3A_445 : vector<16xi1>, vector<16xf32>
        %parallel_loop3A_490 = arith.constant 6 : i32
        %parallel_loop3A_491 = arith.index_cast %parallel_loop3A_490 : i32 to index
        %parallel_loop3A_492 = arith.index_cast %parallel_loop3A_110 : i32 to index
        %parallel_loop3A_493 = tpu.vector_load %arg6[%parallel_loop3A_491, %parallel_loop3A_492] {strides = array<i32>} : memref<8x2048xf32, #tpu.memory_space<vmem>>, vector<1x16xf32>,
        %parallel_loop3A_494 = vector.shape_cast %parallel_loop3A_493 : vector<1x16xf32> to vector<16xf32>
        %parallel_loop3A_495 = vector.shape_cast %parallel_loop3A_489 : vector<16xf32> to vector<1x16xf32>
        tpu.vector_store %arg6[%parallel_loop3A_491, %parallel_loop3A_492], %parallel_loop3A_495 {strides = array<i32>} : memref<8x2048xf32, #tpu.memory_space<vmem>>, vector<1x16xf32>,
        %parallel_loop3A_496 = arith.constant 7 : i32
        %parallel_loop3A_497 = arith.index_cast %parallel_loop3A_496 : i32 to index
        %parallel_loop3A_498 = arith.index_cast %parallel_loop3A_110 : i32 to index
        %parallel_loop3A_499 = tpu.vector_load %arg4[%parallel_loop3A_497, %parallel_loop3A_498] {strides = array<i32>} : memref<8x2048xf32, #tpu.memory_space<vmem>>, vector<1x16xf32>,
        %parallel_loop3A_500 = vector.shape_cast %parallel_loop3A_499 : vector<1x16xf32> to vector<16xf32>
        %parallel_loop3A_501 = tpu.bitcast %parallel_loop3A_500 : vector<16xf32> -> vector<16xi32>
        %parallel_loop3A_502 = arith.constant 2147483647 : i32
        %parallel_loop3A_503 = vector.broadcast %parallel_loop3A_502 : i32 to vector<16xi32>
        %parallel_loop3A_504 = arith.andi %parallel_loop3A_501, %parallel_loop3A_503 : vector<16xi32>
        %parallel_loop3A_505 = arith.constant 0 : i32
        %parallel_loop3A_506 = vector.broadcast %parallel_loop3A_505 : i32 to vector<16xi32>
        %parallel_loop3A_507 = arith.cmpi slt, %xor3A_4, %parallel_loop3A_506 : vector<16xi32>
        %parallel_loop3A_508 = arith.constant 16 : i32
        %parallel_loop3A_509 = vector.broadcast %parallel_loop3A_508 : i32 to vector<16xi32>
        %parallel_loop3A_510 = arith.addi %xor3A_4, %parallel_loop3A_509 : vector<16xi32>
        %parallel_loop3A_511 = arith.select %parallel_loop3A_507, %parallel_loop3A_510, %xor3A_4 : vector<16xi1>, vector<16xi32>
        %parallel_loop3A_512 = vector.shape_cast %parallel_loop3A_511 : vector<16xi32> to vector<16x1xi32>
        %parallel_loop3A_513 = vector.shape_cast %parallel_loop3A_512 : vector<16x1xi32> to vector<16xi32>
        %parallel_loop3A_514 = tpu.dynamic_gather %parallel_loop3A_504[%parallel_loop3A_513] in [0] : vector<16xi32>, vector<16xi32> -> vector<16xi32>
        %parallel_loop3A_515 = arith.cmpi sgt, %parallel_loop3A_514, %parallel_loop3A_504 : vector<16xi32>
        %parallel_loop3A_516 = arith.constant 0 : i32
        %parallel_loop3A_517 = vector.broadcast %parallel_loop3A_516 : i32 to vector<16xi32>
        %parallel_loop3A_518 = arith.cmpi slt, %xor3A_7, %parallel_loop3A_517 : vector<16xi32>
        %parallel_loop3A_519 = arith.constant 16 : i32
        %parallel_loop3A_520 = vector.broadcast %parallel_loop3A_519 : i32 to vector<16xi32>
        %parallel_loop3A_521 = arith.addi %xor3A_7, %parallel_loop3A_520 : vector<16xi32>
        %parallel_loop3A_522 = arith.select %parallel_loop3A_518, %parallel_loop3A_521, %xor3A_7 : vector<16xi1>, vector<16xi32>
        %parallel_loop3A_523 = vector.shape_cast %parallel_loop3A_522 : vector<16xi32> to vector<16x1xi32>
        %parallel_loop3A_524 = vector.shape_cast %parallel_loop3A_523 : vector<16x1xi32> to vector<16xi32>
        %parallel_loop3A_525 = tpu.dynamic_gather %parallel_loop3A_504[%parallel_loop3A_524] in [0] : vector<16xi32>, vector<16xi32> -> vector<16xi32>
        %parallel_loop3A_526 = arith.cmpi sgt, %parallel_loop3A_525, %parallel_loop3A_504 : vector<16xi32>
        %parallel_loop3A_527 = arith.constant 0 : i32
        %parallel_loop3A_528 = vector.broadcast %parallel_loop3A_527 : i32 to vector<16xi32>
        %parallel_loop3A_529 = arith.cmpi slt, %xor3A_10, %parallel_loop3A_528 : vector<16xi32>
        %parallel_loop3A_530 = arith.constant 16 : i32
        %parallel_loop3A_531 = vector.broadcast %parallel_loop3A_530 : i32 to vector<16xi32>
        %parallel_loop3A_532 = arith.addi %xor3A_10, %parallel_loop3A_531 : vector<16xi32>
        %parallel_loop3A_533 = arith.select %parallel_loop3A_529, %parallel_loop3A_532, %xor3A_10 : vector<16xi1>, vector<16xi32>
        %parallel_loop3A_534 = vector.shape_cast %parallel_loop3A_533 : vector<16xi32> to vector<16x1xi32>
        %parallel_loop3A_535 = vector.shape_cast %parallel_loop3A_534 : vector<16x1xi32> to vector<16xi32>
        %parallel_loop3A_536 = tpu.dynamic_gather %parallel_loop3A_504[%parallel_loop3A_535] in [0] : vector<16xi32>, vector<16xi32> -> vector<16xi32>
        %parallel_loop3A_537 = arith.cmpi sgt, %parallel_loop3A_536, %parallel_loop3A_504 : vector<16xi32>
        %parallel_loop3A_538 = arith.andi %parallel_loop3A_515, %parallel_loop3A_526 : vector<16xi1>
        %parallel_loop3A_539 = arith.ori %parallel_loop3A_515, %parallel_loop3A_526 : vector<16xi1>
        %parallel_loop3A_540 = arith.andi %parallel_loop3A_537, %parallel_loop3A_539 : vector<16xi1>
        %parallel_loop3A_541 = arith.ori %parallel_loop3A_538, %parallel_loop3A_540 : vector<16xi1>
        %parallel_loop3A_542 = arith.constant 0.000000e+00 : f32
        %parallel_loop3A_543 = vector.broadcast %parallel_loop3A_542 : f32 to vector<16xf32>
        %parallel_loop3A_544 = arith.select %parallel_loop3A_541, %parallel_loop3A_543, %parallel_loop3A_500 : vector<16xi1>, vector<16xf32>
        %parallel_loop3A_545 = arith.constant 7 : i32
        %parallel_loop3A_546 = arith.index_cast %parallel_loop3A_545 : i32 to index
        %parallel_loop3A_547 = arith.index_cast %parallel_loop3A_110 : i32 to index
        %parallel_loop3A_548 = tpu.vector_load %arg6[%parallel_loop3A_546, %parallel_loop3A_547] {strides = array<i32>} : memref<8x2048xf32, #tpu.memory_space<vmem>>, vector<1x16xf32>,
        %parallel_loop3A_549 = vector.shape_cast %parallel_loop3A_548 : vector<1x16xf32> to vector<16xf32>
        %parallel_loop3A_550 = vector.shape_cast %parallel_loop3A_544 : vector<16xf32> to vector<1x16xf32>
        tpu.vector_store %arg6[%parallel_loop3A_546, %parallel_loop3A_547], %parallel_loop3A_550 {strides = array<i32>} : memref<8x2048xf32, #tpu.memory_space<vmem>>, vector<1x16xf32>,
      } {sc.loop_unroll_factor = 1 : i64, sc.parallel_access}
      %lt3A = arith.constant 31 : i32
      %lt3A_56 = arith.cmpi slt, %scan3A_38, %lt3A : i32
      %convert_element_type3A_57 = arith.extui %lt3A_56 : i1 to i32
      %cond3A_58 = arith.constant 0 : i32
      %cond3A_59 = arith.cmpi ne, %convert_element_type3A_57, %cond3A_58 : i32
      scf.if %cond3A_59 {
        %add3A_110 = arith.constant 2 : i32
        %add3A_111 = arith.addi %add3A_42, %add3A_110 : i32
        %shift_right_arithmetic3A_112 = arith.constant 2 : i32
        %shift_right_arithmetic3A_113 = arith.shrsi %add3A_111, %shift_right_arithmetic3A_112 : i32
        %mul3A_114 = arith.constant 8 : i32
        %mul3A_115 = arith.muli %shift_right_arithmetic3A_113, %mul3A_114 : i32
        %add3A_116 = arith.addi %mul3A_2, %mul3A_115 : i32
        %and3A_117 = arith.constant 3 : i32
        %and3A_118 = arith.andi %add3A_111, %and3A_117 : i32
        %mul3A_119 = arith.constant 2048 : i32
        %mul3A_120 = arith.muli %and3A_118, %mul3A_119 : i32
        %dma_start3A_121 = tpu.memref_slice %arg2[%add3A_116, %mul3A_120] : memref<4096x8192xf32, #tpu.memory_space<hbm>> -> memref<8x2048xf32, #tpu.memory_space<hbm>>
        %dma_start3A_122 = tpu.memref_slice %arg2[%add3A_116, %mul3A_120] : memref<4096x8192xf32, #tpu.memory_space<hbm>> -> memref<8x2048xf32, #tpu.memory_space<hbm>>
        tpu.enqueue_dma source(%dma_start3A_122 : memref<8x2048xf32, #tpu.memory_space<hbm>>) target(%arg4 : memref<8x2048xf32, #tpu.memory_space<vmem>>) target_semaphore(%arg8 : memref<!tpu.dma_semaphore, #tpu.memory_space<semaphore_mem>>)
      } else {
      }
      %shift_right_arithmetic3A_60 = arith.constant 2 : i32
      %shift_right_arithmetic3A_61 = arith.shrsi %add3A_42, %shift_right_arithmetic3A_60 : i32
      %mul3A_62 = arith.constant 8 : i32
      %mul3A_63 = arith.muli %shift_right_arithmetic3A_61, %mul3A_62 : i32
      %add3A_64 = arith.addi %mul3A_2, %mul3A_63 : i32
      %and3A_65 = arith.constant 3 : i32
      %and3A_66 = arith.andi %add3A_42, %and3A_65 : i32
      %mul3A_67 = arith.constant 2048 : i32
      %mul3A_68 = arith.muli %and3A_66, %mul3A_67 : i32
      %dma_start3A_69 = tpu.memref_slice %arg3[%add3A_64, %mul3A_68] : memref<4096x8192xf32, #tpu.memory_space<hbm>> -> memref<8x2048xf32, #tpu.memory_space<hbm>>
      %dma_start3A_70 = tpu.memref_slice %arg3[%add3A_64, %mul3A_68] : memref<4096x8192xf32, #tpu.memory_space<hbm>> -> memref<8x2048xf32, #tpu.memory_space<hbm>>
      tpu.enqueue_dma source(%arg6 : memref<8x2048xf32, #tpu.memory_space<vmem>>) target(%dma_start3A_70 : memref<8x2048xf32, #tpu.memory_space<hbm>>) target_semaphore(%arg10 : memref<!tpu.dma_semaphore, #tpu.memory_space<semaphore_mem>>)
      %mul3A_71 = arith.constant 2 : i32
      %mul3A_72 = arith.muli %scan3A_38, %mul3A_71 : i32
      %add3A_73 = arith.constant 1 : i32
      %add3A_74 = arith.addi %mul3A_72, %add3A_73 : i32
      %shift_right_arithmetic3A_75 = arith.constant 2 : i32
      %shift_right_arithmetic3A_76 = arith.shrsi %add3A_74, %shift_right_arithmetic3A_75 : i32
      %mul3A_77 = arith.constant 8 : i32
      %mul3A_78 = arith.muli %shift_right_arithmetic3A_76, %mul3A_77 : i32
      %add3A_79 = arith.addi %mul3A_2, %mul3A_78 : i32
      %and3A_80 = arith.constant 3 : i32
      %and3A_81 = arith.andi %add3A_74, %and3A_80 : i32
      %mul3A_82 = arith.constant 2048 : i32
      %mul3A_83 = arith.muli %and3A_81, %mul3A_82 : i32
      %dma_wait3A_84 = tpu.memref_slice %arg2[%add3A_79, %mul3A_83] : memref<4096x8192xf32, #tpu.memory_space<hbm>> -> memref<8x2048xf32, #tpu.memory_space<hbm>>
      %dma_wait3A_85 = tpu.memref_slice %arg2[%add3A_79, %mul3A_83] : memref<4096x8192xf32, #tpu.memory_space<hbm>> -> memref<8x2048xf32, #tpu.memory_space<hbm>>
      tpu.wait_dma2 semaphore(%arg9 : memref<!tpu.dma_semaphore, #tpu.memory_space<semaphore_mem>>) src(%dma_wait3A_85 : memref<8x2048xf32, #tpu.memory_space<hbm>>) dst(%arg5 : memref<8x2048xf32, #tpu.memory_space<vmem>>)
      %gt3A_86 = arith.constant 0 : i32
      %gt3A_87 = arith.cmpi sgt, %scan3A_38, %gt3A_86 : i32
      %convert_element_type3A_88 = arith.extui %gt3A_87 : i1 to i32
      %cond3A_89 = arith.constant 0 : i32
      %cond3A_90 = arith.cmpi ne, %convert_element_type3A_88, %cond3A_89 : i32
      scf.if %cond3A_90 {
        %sub3A = arith.constant 2 : i32
        %sub3A_110 = arith.subi %add3A_74, %sub3A : i32
        %shift_right_arithmetic3A_111 = arith.constant 2 : i32
        %shift_right_arithmetic3A_112 = arith.shrsi %sub3A_110, %shift_right_arithmetic3A_111 : i32
        %mul3A_113 = arith.constant 8 : i32
        %mul3A_114 = arith.muli %shift_right_arithmetic3A_112, %mul3A_113 : i32
        %add3A_115 = arith.addi %mul3A_2, %mul3A_114 : i32
        %and3A_116 = arith.constant 3 : i32
        %and3A_117 = arith.andi %sub3A_110, %and3A_116 : i32
        %mul3A_118 = arith.constant 2048 : i32
        %mul3A_119 = arith.muli %and3A_117, %mul3A_118 : i32
        %dma_wait3A_120 = tpu.memref_slice %arg3[%add3A_115, %mul3A_119] : memref<4096x8192xf32, #tpu.memory_space<hbm>> -> memref<8x2048xf32, #tpu.memory_space<hbm>>
        %dma_wait3A_121 = tpu.memref_slice %arg3[%add3A_115, %mul3A_119] : memref<4096x8192xf32, #tpu.memory_space<hbm>> -> memref<8x2048xf32, #tpu.memory_space<hbm>>
        tpu.wait_dma2 semaphore(%arg11 : memref<!tpu.dma_semaphore, #tpu.memory_space<semaphore_mem>>) src(%arg7 : memref<8x2048xf32, #tpu.memory_space<vmem>>) dst(%dma_wait3A_121 : memref<8x2048xf32, #tpu.memory_space<hbm>>)
      } else {
      }
      %parallel_loop3A_91 = arith.constant 0 : i32
      %parallel_loop3A_92 = arith.constant 2048 : i32
      %parallel_loop3A_93 = arith.constant 16 : i32
      scf.for %parallel_loop3A_110 = %parallel_loop3A_91 to %parallel_loop3A_92 step %parallel_loop3A_93  : i32 {
        %parallel_loop3A_111 = arith.constant 0 : i32
        %parallel_loop3A_112 = arith.index_cast %parallel_loop3A_111 : i32 to index
        %parallel_loop3A_113 = arith.index_cast %parallel_loop3A_110 : i32 to index
        %parallel_loop3A_114 = tpu.vector_load %arg5[%parallel_loop3A_112, %parallel_loop3A_113] {strides = array<i32>} : memref<8x2048xf32, #tpu.memory_space<vmem>>, vector<1x16xf32>,
        %parallel_loop3A_115 = vector.shape_cast %parallel_loop3A_114 : vector<1x16xf32> to vector<16xf32>
        %parallel_loop3A_116 = tpu.bitcast %parallel_loop3A_115 : vector<16xf32> -> vector<16xi32>
        %parallel_loop3A_117 = arith.constant 2147483647 : i32
        %parallel_loop3A_118 = vector.broadcast %parallel_loop3A_117 : i32 to vector<16xi32>
        %parallel_loop3A_119 = arith.andi %parallel_loop3A_116, %parallel_loop3A_118 : vector<16xi32>
        %parallel_loop3A_120 = arith.constant 0 : i32
        %parallel_loop3A_121 = vector.broadcast %parallel_loop3A_120 : i32 to vector<16xi32>
        %parallel_loop3A_122 = arith.cmpi slt, %xor3A_4, %parallel_loop3A_121 : vector<16xi32>
        %parallel_loop3A_123 = arith.constant 16 : i32
        %parallel_loop3A_124 = vector.broadcast %parallel_loop3A_123 : i32 to vector<16xi32>
        %parallel_loop3A_125 = arith.addi %xor3A_4, %parallel_loop3A_124 : vector<16xi32>
        %parallel_loop3A_126 = arith.select %parallel_loop3A_122, %parallel_loop3A_125, %xor3A_4 : vector<16xi1>, vector<16xi32>
        %parallel_loop3A_127 = vector.shape_cast %parallel_loop3A_126 : vector<16xi32> to vector<16x1xi32>
        %parallel_loop3A_128 = vector.shape_cast %parallel_loop3A_127 : vector<16x1xi32> to vector<16xi32>
        %parallel_loop3A_129 = tpu.dynamic_gather %parallel_loop3A_119[%parallel_loop3A_128] in [0] : vector<16xi32>, vector<16xi32> -> vector<16xi32>
        %parallel_loop3A_130 = arith.cmpi sgt, %parallel_loop3A_129, %parallel_loop3A_119 : vector<16xi32>
        %parallel_loop3A_131 = arith.constant 0 : i32
        %parallel_loop3A_132 = vector.broadcast %parallel_loop3A_131 : i32 to vector<16xi32>
        %parallel_loop3A_133 = arith.cmpi slt, %xor3A_7, %parallel_loop3A_132 : vector<16xi32>
        %parallel_loop3A_134 = arith.constant 16 : i32
        %parallel_loop3A_135 = vector.broadcast %parallel_loop3A_134 : i32 to vector<16xi32>
        %parallel_loop3A_136 = arith.addi %xor3A_7, %parallel_loop3A_135 : vector<16xi32>
        %parallel_loop3A_137 = arith.select %parallel_loop3A_133, %parallel_loop3A_136, %xor3A_7 : vector<16xi1>, vector<16xi32>
        %parallel_loop3A_138 = vector.shape_cast %parallel_loop3A_137 : vector<16xi32> to vector<16x1xi32>
        %parallel_loop3A_139 = vector.shape_cast %parallel_loop3A_138 : vector<16x1xi32> to vector<16xi32>
        %parallel_loop3A_140 = tpu.dynamic_gather %parallel_loop3A_119[%parallel_loop3A_139] in [0] : vector<16xi32>, vector<16xi32> -> vector<16xi32>
        %parallel_loop3A_141 = arith.cmpi sgt, %parallel_loop3A_140, %parallel_loop3A_119 : vector<16xi32>
        %parallel_loop3A_142 = arith.constant 0 : i32
        %parallel_loop3A_143 = vector.broadcast %parallel_loop3A_142 : i32 to vector<16xi32>
        %parallel_loop3A_144 = arith.cmpi slt, %xor3A_10, %parallel_loop3A_143 : vector<16xi32>
        %parallel_loop3A_145 = arith.constant 16 : i32
        %parallel_loop3A_146 = vector.broadcast %parallel_loop3A_145 : i32 to vector<16xi32>
        %parallel_loop3A_147 = arith.addi %xor3A_10, %parallel_loop3A_146 : vector<16xi32>
        %parallel_loop3A_148 = arith.select %parallel_loop3A_144, %parallel_loop3A_147, %xor3A_10 : vector<16xi1>, vector<16xi32>
        %parallel_loop3A_149 = vector.shape_cast %parallel_loop3A_148 : vector<16xi32> to vector<16x1xi32>
        %parallel_loop3A_150 = vector.shape_cast %parallel_loop3A_149 : vector<16x1xi32> to vector<16xi32>
        %parallel_loop3A_151 = tpu.dynamic_gather %parallel_loop3A_119[%parallel_loop3A_150] in [0] : vector<16xi32>, vector<16xi32> -> vector<16xi32>
        %parallel_loop3A_152 = arith.cmpi sgt, %parallel_loop3A_151, %parallel_loop3A_119 : vector<16xi32>
        %parallel_loop3A_153 = arith.andi %parallel_loop3A_130, %parallel_loop3A_141 : vector<16xi1>
        %parallel_loop3A_154 = arith.ori %parallel_loop3A_130, %parallel_loop3A_141 : vector<16xi1>
        %parallel_loop3A_155 = arith.andi %parallel_loop3A_152, %parallel_loop3A_154 : vector<16xi1>
        %parallel_loop3A_156 = arith.ori %parallel_loop3A_153, %parallel_loop3A_155 : vector<16xi1>
        %parallel_loop3A_157 = arith.constant 0.000000e+00 : f32
        %parallel_loop3A_158 = vector.broadcast %parallel_loop3A_157 : f32 to vector<16xf32>
        %parallel_loop3A_159 = arith.select %parallel_loop3A_156, %parallel_loop3A_158, %parallel_loop3A_115 : vector<16xi1>, vector<16xf32>
        %parallel_loop3A_160 = arith.constant 0 : i32
        %parallel_loop3A_161 = arith.index_cast %parallel_loop3A_160 : i32 to index
        %parallel_loop3A_162 = arith.index_cast %parallel_loop3A_110 : i32 to index
        %parallel_loop3A_163 = tpu.vector_load %arg7[%parallel_loop3A_161, %parallel_loop3A_162] {strides = array<i32>} : memref<8x2048xf32, #tpu.memory_space<vmem>>, vector<1x16xf32>,
        %parallel_loop3A_164 = vector.shape_cast %parallel_loop3A_163 : vector<1x16xf32> to vector<16xf32>
        %parallel_loop3A_165 = vector.shape_cast %parallel_loop3A_159 : vector<16xf32> to vector<1x16xf32>
        tpu.vector_store %arg7[%parallel_loop3A_161, %parallel_loop3A_162], %parallel_loop3A_165 {strides = array<i32>} : memref<8x2048xf32, #tpu.memory_space<vmem>>, vector<1x16xf32>,
        %parallel_loop3A_166 = arith.constant 1 : i32
        %parallel_loop3A_167 = arith.index_cast %parallel_loop3A_166 : i32 to index
        %parallel_loop3A_168 = arith.index_cast %parallel_loop3A_110 : i32 to index
        %parallel_loop3A_169 = tpu.vector_load %arg5[%parallel_loop3A_167, %parallel_loop3A_168] {strides = array<i32>} : memref<8x2048xf32, #tpu.memory_space<vmem>>, vector<1x16xf32>,
        %parallel_loop3A_170 = vector.shape_cast %parallel_loop3A_169 : vector<1x16xf32> to vector<16xf32>
        %parallel_loop3A_171 = tpu.bitcast %parallel_loop3A_170 : vector<16xf32> -> vector<16xi32>
        %parallel_loop3A_172 = arith.constant 2147483647 : i32
        %parallel_loop3A_173 = vector.broadcast %parallel_loop3A_172 : i32 to vector<16xi32>
        %parallel_loop3A_174 = arith.andi %parallel_loop3A_171, %parallel_loop3A_173 : vector<16xi32>
        %parallel_loop3A_175 = arith.constant 0 : i32
        %parallel_loop3A_176 = vector.broadcast %parallel_loop3A_175 : i32 to vector<16xi32>
        %parallel_loop3A_177 = arith.cmpi slt, %xor3A_4, %parallel_loop3A_176 : vector<16xi32>
        %parallel_loop3A_178 = arith.constant 16 : i32
        %parallel_loop3A_179 = vector.broadcast %parallel_loop3A_178 : i32 to vector<16xi32>
        %parallel_loop3A_180 = arith.addi %xor3A_4, %parallel_loop3A_179 : vector<16xi32>
        %parallel_loop3A_181 = arith.select %parallel_loop3A_177, %parallel_loop3A_180, %xor3A_4 : vector<16xi1>, vector<16xi32>
        %parallel_loop3A_182 = vector.shape_cast %parallel_loop3A_181 : vector<16xi32> to vector<16x1xi32>
        %parallel_loop3A_183 = vector.shape_cast %parallel_loop3A_182 : vector<16x1xi32> to vector<16xi32>
        %parallel_loop3A_184 = tpu.dynamic_gather %parallel_loop3A_174[%parallel_loop3A_183] in [0] : vector<16xi32>, vector<16xi32> -> vector<16xi32>
        %parallel_loop3A_185 = arith.cmpi sgt, %parallel_loop3A_184, %parallel_loop3A_174 : vector<16xi32>
        %parallel_loop3A_186 = arith.constant 0 : i32
        %parallel_loop3A_187 = vector.broadcast %parallel_loop3A_186 : i32 to vector<16xi32>
        %parallel_loop3A_188 = arith.cmpi slt, %xor3A_7, %parallel_loop3A_187 : vector<16xi32>
        %parallel_loop3A_189 = arith.constant 16 : i32
        %parallel_loop3A_190 = vector.broadcast %parallel_loop3A_189 : i32 to vector<16xi32>
        %parallel_loop3A_191 = arith.addi %xor3A_7, %parallel_loop3A_190 : vector<16xi32>
        %parallel_loop3A_192 = arith.select %parallel_loop3A_188, %parallel_loop3A_191, %xor3A_7 : vector<16xi1>, vector<16xi32>
        %parallel_loop3A_193 = vector.shape_cast %parallel_loop3A_192 : vector<16xi32> to vector<16x1xi32>
        %parallel_loop3A_194 = vector.shape_cast %parallel_loop3A_193 : vector<16x1xi32> to vector<16xi32>
        %parallel_loop3A_195 = tpu.dynamic_gather %parallel_loop3A_174[%parallel_loop3A_194] in [0] : vector<16xi32>, vector<16xi32> -> vector<16xi32>
        %parallel_loop3A_196 = arith.cmpi sgt, %parallel_loop3A_195, %parallel_loop3A_174 : vector<16xi32>
        %parallel_loop3A_197 = arith.constant 0 : i32
        %parallel_loop3A_198 = vector.broadcast %parallel_loop3A_197 : i32 to vector<16xi32>
        %parallel_loop3A_199 = arith.cmpi slt, %xor3A_10, %parallel_loop3A_198 : vector<16xi32>
        %parallel_loop3A_200 = arith.constant 16 : i32
        %parallel_loop3A_201 = vector.broadcast %parallel_loop3A_200 : i32 to vector<16xi32>
        %parallel_loop3A_202 = arith.addi %xor3A_10, %parallel_loop3A_201 : vector<16xi32>
        %parallel_loop3A_203 = arith.select %parallel_loop3A_199, %parallel_loop3A_202, %xor3A_10 : vector<16xi1>, vector<16xi32>
        %parallel_loop3A_204 = vector.shape_cast %parallel_loop3A_203 : vector<16xi32> to vector<16x1xi32>
        %parallel_loop3A_205 = vector.shape_cast %parallel_loop3A_204 : vector<16x1xi32> to vector<16xi32>
        %parallel_loop3A_206 = tpu.dynamic_gather %parallel_loop3A_174[%parallel_loop3A_205] in [0] : vector<16xi32>, vector<16xi32> -> vector<16xi32>
        %parallel_loop3A_207 = arith.cmpi sgt, %parallel_loop3A_206, %parallel_loop3A_174 : vector<16xi32>
        %parallel_loop3A_208 = arith.andi %parallel_loop3A_185, %parallel_loop3A_196 : vector<16xi1>
        %parallel_loop3A_209 = arith.ori %parallel_loop3A_185, %parallel_loop3A_196 : vector<16xi1>
        %parallel_loop3A_210 = arith.andi %parallel_loop3A_207, %parallel_loop3A_209 : vector<16xi1>
        %parallel_loop3A_211 = arith.ori %parallel_loop3A_208, %parallel_loop3A_210 : vector<16xi1>
        %parallel_loop3A_212 = arith.constant 0.000000e+00 : f32
        %parallel_loop3A_213 = vector.broadcast %parallel_loop3A_212 : f32 to vector<16xf32>
        %parallel_loop3A_214 = arith.select %parallel_loop3A_211, %parallel_loop3A_213, %parallel_loop3A_170 : vector<16xi1>, vector<16xf32>
        %parallel_loop3A_215 = arith.constant 1 : i32
        %parallel_loop3A_216 = arith.index_cast %parallel_loop3A_215 : i32 to index
        %parallel_loop3A_217 = arith.index_cast %parallel_loop3A_110 : i32 to index
        %parallel_loop3A_218 = tpu.vector_load %arg7[%parallel_loop3A_216, %parallel_loop3A_217] {strides = array<i32>} : memref<8x2048xf32, #tpu.memory_space<vmem>>, vector<1x16xf32>,
        %parallel_loop3A_219 = vector.shape_cast %parallel_loop3A_218 : vector<1x16xf32> to vector<16xf32>
        %parallel_loop3A_220 = vector.shape_cast %parallel_loop3A_214 : vector<16xf32> to vector<1x16xf32>
        tpu.vector_store %arg7[%parallel_loop3A_216, %parallel_loop3A_217], %parallel_loop3A_220 {strides = array<i32>} : memref<8x2048xf32, #tpu.memory_space<vmem>>, vector<1x16xf32>,
        %parallel_loop3A_221 = arith.constant 2 : i32
        %parallel_loop3A_222 = arith.index_cast %parallel_loop3A_221 : i32 to index
        %parallel_loop3A_223 = arith.index_cast %parallel_loop3A_110 : i32 to index
        %parallel_loop3A_224 = tpu.vector_load %arg5[%parallel_loop3A_222, %parallel_loop3A_223] {strides = array<i32>} : memref<8x2048xf32, #tpu.memory_space<vmem>>, vector<1x16xf32>,
        %parallel_loop3A_225 = vector.shape_cast %parallel_loop3A_224 : vector<1x16xf32> to vector<16xf32>
        %parallel_loop3A_226 = tpu.bitcast %parallel_loop3A_225 : vector<16xf32> -> vector<16xi32>
        %parallel_loop3A_227 = arith.constant 2147483647 : i32
        %parallel_loop3A_228 = vector.broadcast %parallel_loop3A_227 : i32 to vector<16xi32>
        %parallel_loop3A_229 = arith.andi %parallel_loop3A_226, %parallel_loop3A_228 : vector<16xi32>
        %parallel_loop3A_230 = arith.constant 0 : i32
        %parallel_loop3A_231 = vector.broadcast %parallel_loop3A_230 : i32 to vector<16xi32>
        %parallel_loop3A_232 = arith.cmpi slt, %xor3A_4, %parallel_loop3A_231 : vector<16xi32>
        %parallel_loop3A_233 = arith.constant 16 : i32
        %parallel_loop3A_234 = vector.broadcast %parallel_loop3A_233 : i32 to vector<16xi32>
        %parallel_loop3A_235 = arith.addi %xor3A_4, %parallel_loop3A_234 : vector<16xi32>
        %parallel_loop3A_236 = arith.select %parallel_loop3A_232, %parallel_loop3A_235, %xor3A_4 : vector<16xi1>, vector<16xi32>
        %parallel_loop3A_237 = vector.shape_cast %parallel_loop3A_236 : vector<16xi32> to vector<16x1xi32>
        %parallel_loop3A_238 = vector.shape_cast %parallel_loop3A_237 : vector<16x1xi32> to vector<16xi32>
        %parallel_loop3A_239 = tpu.dynamic_gather %parallel_loop3A_229[%parallel_loop3A_238] in [0] : vector<16xi32>, vector<16xi32> -> vector<16xi32>
        %parallel_loop3A_240 = arith.cmpi sgt, %parallel_loop3A_239, %parallel_loop3A_229 : vector<16xi32>
        %parallel_loop3A_241 = arith.constant 0 : i32
        %parallel_loop3A_242 = vector.broadcast %parallel_loop3A_241 : i32 to vector<16xi32>
        %parallel_loop3A_243 = arith.cmpi slt, %xor3A_7, %parallel_loop3A_242 : vector<16xi32>
        %parallel_loop3A_244 = arith.constant 16 : i32
        %parallel_loop3A_245 = vector.broadcast %parallel_loop3A_244 : i32 to vector<16xi32>
        %parallel_loop3A_246 = arith.addi %xor3A_7, %parallel_loop3A_245 : vector<16xi32>
        %parallel_loop3A_247 = arith.select %parallel_loop3A_243, %parallel_loop3A_246, %xor3A_7 : vector<16xi1>, vector<16xi32>
        %parallel_loop3A_248 = vector.shape_cast %parallel_loop3A_247 : vector<16xi32> to vector<16x1xi32>
        %parallel_loop3A_249 = vector.shape_cast %parallel_loop3A_248 : vector<16x1xi32> to vector<16xi32>
        %parallel_loop3A_250 = tpu.dynamic_gather %parallel_loop3A_229[%parallel_loop3A_249] in [0] : vector<16xi32>, vector<16xi32> -> vector<16xi32>
        %parallel_loop3A_251 = arith.cmpi sgt, %parallel_loop3A_250, %parallel_loop3A_229 : vector<16xi32>
        %parallel_loop3A_252 = arith.constant 0 : i32
        %parallel_loop3A_253 = vector.broadcast %parallel_loop3A_252 : i32 to vector<16xi32>
        %parallel_loop3A_254 = arith.cmpi slt, %xor3A_10, %parallel_loop3A_253 : vector<16xi32>
        %parallel_loop3A_255 = arith.constant 16 : i32
        %parallel_loop3A_256 = vector.broadcast %parallel_loop3A_255 : i32 to vector<16xi32>
        %parallel_loop3A_257 = arith.addi %xor3A_10, %parallel_loop3A_256 : vector<16xi32>
        %parallel_loop3A_258 = arith.select %parallel_loop3A_254, %parallel_loop3A_257, %xor3A_10 : vector<16xi1>, vector<16xi32>
        %parallel_loop3A_259 = vector.shape_cast %parallel_loop3A_258 : vector<16xi32> to vector<16x1xi32>
        %parallel_loop3A_260 = vector.shape_cast %parallel_loop3A_259 : vector<16x1xi32> to vector<16xi32>
        %parallel_loop3A_261 = tpu.dynamic_gather %parallel_loop3A_229[%parallel_loop3A_260] in [0] : vector<16xi32>, vector<16xi32> -> vector<16xi32>
        %parallel_loop3A_262 = arith.cmpi sgt, %parallel_loop3A_261, %parallel_loop3A_229 : vector<16xi32>
        %parallel_loop3A_263 = arith.andi %parallel_loop3A_240, %parallel_loop3A_251 : vector<16xi1>
        %parallel_loop3A_264 = arith.ori %parallel_loop3A_240, %parallel_loop3A_251 : vector<16xi1>
        %parallel_loop3A_265 = arith.andi %parallel_loop3A_262, %parallel_loop3A_264 : vector<16xi1>
        %parallel_loop3A_266 = arith.ori %parallel_loop3A_263, %parallel_loop3A_265 : vector<16xi1>
        %parallel_loop3A_267 = arith.constant 0.000000e+00 : f32
        %parallel_loop3A_268 = vector.broadcast %parallel_loop3A_267 : f32 to vector<16xf32>
        %parallel_loop3A_269 = arith.select %parallel_loop3A_266, %parallel_loop3A_268, %parallel_loop3A_225 : vector<16xi1>, vector<16xf32>
        %parallel_loop3A_270 = arith.constant 2 : i32
        %parallel_loop3A_271 = arith.index_cast %parallel_loop3A_270 : i32 to index
        %parallel_loop3A_272 = arith.index_cast %parallel_loop3A_110 : i32 to index
        %parallel_loop3A_273 = tpu.vector_load %arg7[%parallel_loop3A_271, %parallel_loop3A_272] {strides = array<i32>} : memref<8x2048xf32, #tpu.memory_space<vmem>>, vector<1x16xf32>,
        %parallel_loop3A_274 = vector.shape_cast %parallel_loop3A_273 : vector<1x16xf32> to vector<16xf32>
        %parallel_loop3A_275 = vector.shape_cast %parallel_loop3A_269 : vector<16xf32> to vector<1x16xf32>
        tpu.vector_store %arg7[%parallel_loop3A_271, %parallel_loop3A_272], %parallel_loop3A_275 {strides = array<i32>} : memref<8x2048xf32, #tpu.memory_space<vmem>>, vector<1x16xf32>,
        %parallel_loop3A_276 = arith.constant 3 : i32
        %parallel_loop3A_277 = arith.index_cast %parallel_loop3A_276 : i32 to index
        %parallel_loop3A_278 = arith.index_cast %parallel_loop3A_110 : i32 to index
        %parallel_loop3A_279 = tpu.vector_load %arg5[%parallel_loop3A_277, %parallel_loop3A_278] {strides = array<i32>} : memref<8x2048xf32, #tpu.memory_space<vmem>>, vector<1x16xf32>,
        %parallel_loop3A_280 = vector.shape_cast %parallel_loop3A_279 : vector<1x16xf32> to vector<16xf32>
        %parallel_loop3A_281 = tpu.bitcast %parallel_loop3A_280 : vector<16xf32> -> vector<16xi32>
        %parallel_loop3A_282 = arith.constant 2147483647 : i32
        %parallel_loop3A_283 = vector.broadcast %parallel_loop3A_282 : i32 to vector<16xi32>
        %parallel_loop3A_284 = arith.andi %parallel_loop3A_281, %parallel_loop3A_283 : vector<16xi32>
        %parallel_loop3A_285 = arith.constant 0 : i32
        %parallel_loop3A_286 = vector.broadcast %parallel_loop3A_285 : i32 to vector<16xi32>
        %parallel_loop3A_287 = arith.cmpi slt, %xor3A_4, %parallel_loop3A_286 : vector<16xi32>
        %parallel_loop3A_288 = arith.constant 16 : i32
        %parallel_loop3A_289 = vector.broadcast %parallel_loop3A_288 : i32 to vector<16xi32>
        %parallel_loop3A_290 = arith.addi %xor3A_4, %parallel_loop3A_289 : vector<16xi32>
        %parallel_loop3A_291 = arith.select %parallel_loop3A_287, %parallel_loop3A_290, %xor3A_4 : vector<16xi1>, vector<16xi32>
        %parallel_loop3A_292 = vector.shape_cast %parallel_loop3A_291 : vector<16xi32> to vector<16x1xi32>
        %parallel_loop3A_293 = vector.shape_cast %parallel_loop3A_292 : vector<16x1xi32> to vector<16xi32>
        %parallel_loop3A_294 = tpu.dynamic_gather %parallel_loop3A_284[%parallel_loop3A_293] in [0] : vector<16xi32>, vector<16xi32> -> vector<16xi32>
        %parallel_loop3A_295 = arith.cmpi sgt, %parallel_loop3A_294, %parallel_loop3A_284 : vector<16xi32>
        %parallel_loop3A_296 = arith.constant 0 : i32
        %parallel_loop3A_297 = vector.broadcast %parallel_loop3A_296 : i32 to vector<16xi32>
        %parallel_loop3A_298 = arith.cmpi slt, %xor3A_7, %parallel_loop3A_297 : vector<16xi32>
        %parallel_loop3A_299 = arith.constant 16 : i32
        %parallel_loop3A_300 = vector.broadcast %parallel_loop3A_299 : i32 to vector<16xi32>
        %parallel_loop3A_301 = arith.addi %xor3A_7, %parallel_loop3A_300 : vector<16xi32>
        %parallel_loop3A_302 = arith.select %parallel_loop3A_298, %parallel_loop3A_301, %xor3A_7 : vector<16xi1>, vector<16xi32>
        %parallel_loop3A_303 = vector.shape_cast %parallel_loop3A_302 : vector<16xi32> to vector<16x1xi32>
        %parallel_loop3A_304 = vector.shape_cast %parallel_loop3A_303 : vector<16x1xi32> to vector<16xi32>
        %parallel_loop3A_305 = tpu.dynamic_gather %parallel_loop3A_284[%parallel_loop3A_304] in [0] : vector<16xi32>, vector<16xi32> -> vector<16xi32>
        %parallel_loop3A_306 = arith.cmpi sgt, %parallel_loop3A_305, %parallel_loop3A_284 : vector<16xi32>
        %parallel_loop3A_307 = arith.constant 0 : i32
        %parallel_loop3A_308 = vector.broadcast %parallel_loop3A_307 : i32 to vector<16xi32>
        %parallel_loop3A_309 = arith.cmpi slt, %xor3A_10, %parallel_loop3A_308 : vector<16xi32>
        %parallel_loop3A_310 = arith.constant 16 : i32
        %parallel_loop3A_311 = vector.broadcast %parallel_loop3A_310 : i32 to vector<16xi32>
        %parallel_loop3A_312 = arith.addi %xor3A_10, %parallel_loop3A_311 : vector<16xi32>
        %parallel_loop3A_313 = arith.select %parallel_loop3A_309, %parallel_loop3A_312, %xor3A_10 : vector<16xi1>, vector<16xi32>
        %parallel_loop3A_314 = vector.shape_cast %parallel_loop3A_313 : vector<16xi32> to vector<16x1xi32>
        %parallel_loop3A_315 = vector.shape_cast %parallel_loop3A_314 : vector<16x1xi32> to vector<16xi32>
        %parallel_loop3A_316 = tpu.dynamic_gather %parallel_loop3A_284[%parallel_loop3A_315] in [0] : vector<16xi32>, vector<16xi32> -> vector<16xi32>
        %parallel_loop3A_317 = arith.cmpi sgt, %parallel_loop3A_316, %parallel_loop3A_284 : vector<16xi32>
        %parallel_loop3A_318 = arith.andi %parallel_loop3A_295, %parallel_loop3A_306 : vector<16xi1>
        %parallel_loop3A_319 = arith.ori %parallel_loop3A_295, %parallel_loop3A_306 : vector<16xi1>
        %parallel_loop3A_320 = arith.andi %parallel_loop3A_317, %parallel_loop3A_319 : vector<16xi1>
        %parallel_loop3A_321 = arith.ori %parallel_loop3A_318, %parallel_loop3A_320 : vector<16xi1>
        %parallel_loop3A_322 = arith.constant 0.000000e+00 : f32
        %parallel_loop3A_323 = vector.broadcast %parallel_loop3A_322 : f32 to vector<16xf32>
        %parallel_loop3A_324 = arith.select %parallel_loop3A_321, %parallel_loop3A_323, %parallel_loop3A_280 : vector<16xi1>, vector<16xf32>
        %parallel_loop3A_325 = arith.constant 3 : i32
        %parallel_loop3A_326 = arith.index_cast %parallel_loop3A_325 : i32 to index
        %parallel_loop3A_327 = arith.index_cast %parallel_loop3A_110 : i32 to index
        %parallel_loop3A_328 = tpu.vector_load %arg7[%parallel_loop3A_326, %parallel_loop3A_327] {strides = array<i32>} : memref<8x2048xf32, #tpu.memory_space<vmem>>, vector<1x16xf32>,
        %parallel_loop3A_329 = vector.shape_cast %parallel_loop3A_328 : vector<1x16xf32> to vector<16xf32>
        %parallel_loop3A_330 = vector.shape_cast %parallel_loop3A_324 : vector<16xf32> to vector<1x16xf32>
        tpu.vector_store %arg7[%parallel_loop3A_326, %parallel_loop3A_327], %parallel_loop3A_330 {strides = array<i32>} : memref<8x2048xf32, #tpu.memory_space<vmem>>, vector<1x16xf32>,
        %parallel_loop3A_331 = arith.constant 4 : i32
        %parallel_loop3A_332 = arith.index_cast %parallel_loop3A_331 : i32 to index
        %parallel_loop3A_333 = arith.index_cast %parallel_loop3A_110 : i32 to index
        %parallel_loop3A_334 = tpu.vector_load %arg5[%parallel_loop3A_332, %parallel_loop3A_333] {strides = array<i32>} : memref<8x2048xf32, #tpu.memory_space<vmem>>, vector<1x16xf32>,
        %parallel_loop3A_335 = vector.shape_cast %parallel_loop3A_334 : vector<1x16xf32> to vector<16xf32>
        %parallel_loop3A_336 = tpu.bitcast %parallel_loop3A_335 : vector<16xf32> -> vector<16xi32>
        %parallel_loop3A_337 = arith.constant 2147483647 : i32
        %parallel_loop3A_338 = vector.broadcast %parallel_loop3A_337 : i32 to vector<16xi32>
        %parallel_loop3A_339 = arith.andi %parallel_loop3A_336, %parallel_loop3A_338 : vector<16xi32>
        %parallel_loop3A_340 = arith.constant 0 : i32
        %parallel_loop3A_341 = vector.broadcast %parallel_loop3A_340 : i32 to vector<16xi32>
        %parallel_loop3A_342 = arith.cmpi slt, %xor3A_4, %parallel_loop3A_341 : vector<16xi32>
        %parallel_loop3A_343 = arith.constant 16 : i32
        %parallel_loop3A_344 = vector.broadcast %parallel_loop3A_343 : i32 to vector<16xi32>
        %parallel_loop3A_345 = arith.addi %xor3A_4, %parallel_loop3A_344 : vector<16xi32>
        %parallel_loop3A_346 = arith.select %parallel_loop3A_342, %parallel_loop3A_345, %xor3A_4 : vector<16xi1>, vector<16xi32>
        %parallel_loop3A_347 = vector.shape_cast %parallel_loop3A_346 : vector<16xi32> to vector<16x1xi32>
        %parallel_loop3A_348 = vector.shape_cast %parallel_loop3A_347 : vector<16x1xi32> to vector<16xi32>
        %parallel_loop3A_349 = tpu.dynamic_gather %parallel_loop3A_339[%parallel_loop3A_348] in [0] : vector<16xi32>, vector<16xi32> -> vector<16xi32>
        %parallel_loop3A_350 = arith.cmpi sgt, %parallel_loop3A_349, %parallel_loop3A_339 : vector<16xi32>
        %parallel_loop3A_351 = arith.constant 0 : i32
        %parallel_loop3A_352 = vector.broadcast %parallel_loop3A_351 : i32 to vector<16xi32>
        %parallel_loop3A_353 = arith.cmpi slt, %xor3A_7, %parallel_loop3A_352 : vector<16xi32>
        %parallel_loop3A_354 = arith.constant 16 : i32
        %parallel_loop3A_355 = vector.broadcast %parallel_loop3A_354 : i32 to vector<16xi32>
        %parallel_loop3A_356 = arith.addi %xor3A_7, %parallel_loop3A_355 : vector<16xi32>
        %parallel_loop3A_357 = arith.select %parallel_loop3A_353, %parallel_loop3A_356, %xor3A_7 : vector<16xi1>, vector<16xi32>
        %parallel_loop3A_358 = vector.shape_cast %parallel_loop3A_357 : vector<16xi32> to vector<16x1xi32>
        %parallel_loop3A_359 = vector.shape_cast %parallel_loop3A_358 : vector<16x1xi32> to vector<16xi32>
        %parallel_loop3A_360 = tpu.dynamic_gather %parallel_loop3A_339[%parallel_loop3A_359] in [0] : vector<16xi32>, vector<16xi32> -> vector<16xi32>
        %parallel_loop3A_361 = arith.cmpi sgt, %parallel_loop3A_360, %parallel_loop3A_339 : vector<16xi32>
        %parallel_loop3A_362 = arith.constant 0 : i32
        %parallel_loop3A_363 = vector.broadcast %parallel_loop3A_362 : i32 to vector<16xi32>
        %parallel_loop3A_364 = arith.cmpi slt, %xor3A_10, %parallel_loop3A_363 : vector<16xi32>
        %parallel_loop3A_365 = arith.constant 16 : i32
        %parallel_loop3A_366 = vector.broadcast %parallel_loop3A_365 : i32 to vector<16xi32>
        %parallel_loop3A_367 = arith.addi %xor3A_10, %parallel_loop3A_366 : vector<16xi32>
        %parallel_loop3A_368 = arith.select %parallel_loop3A_364, %parallel_loop3A_367, %xor3A_10 : vector<16xi1>, vector<16xi32>
        %parallel_loop3A_369 = vector.shape_cast %parallel_loop3A_368 : vector<16xi32> to vector<16x1xi32>
        %parallel_loop3A_370 = vector.shape_cast %parallel_loop3A_369 : vector<16x1xi32> to vector<16xi32>
        %parallel_loop3A_371 = tpu.dynamic_gather %parallel_loop3A_339[%parallel_loop3A_370] in [0] : vector<16xi32>, vector<16xi32> -> vector<16xi32>
        %parallel_loop3A_372 = arith.cmpi sgt, %parallel_loop3A_371, %parallel_loop3A_339 : vector<16xi32>
        %parallel_loop3A_373 = arith.andi %parallel_loop3A_350, %parallel_loop3A_361 : vector<16xi1>
        %parallel_loop3A_374 = arith.ori %parallel_loop3A_350, %parallel_loop3A_361 : vector<16xi1>
        %parallel_loop3A_375 = arith.andi %parallel_loop3A_372, %parallel_loop3A_374 : vector<16xi1>
        %parallel_loop3A_376 = arith.ori %parallel_loop3A_373, %parallel_loop3A_375 : vector<16xi1>
        %parallel_loop3A_377 = arith.constant 0.000000e+00 : f32
        %parallel_loop3A_378 = vector.broadcast %parallel_loop3A_377 : f32 to vector<16xf32>
        %parallel_loop3A_379 = arith.select %parallel_loop3A_376, %parallel_loop3A_378, %parallel_loop3A_335 : vector<16xi1>, vector<16xf32>
        %parallel_loop3A_380 = arith.constant 4 : i32
        %parallel_loop3A_381 = arith.index_cast %parallel_loop3A_380 : i32 to index
        %parallel_loop3A_382 = arith.index_cast %parallel_loop3A_110 : i32 to index
        %parallel_loop3A_383 = tpu.vector_load %arg7[%parallel_loop3A_381, %parallel_loop3A_382] {strides = array<i32>} : memref<8x2048xf32, #tpu.memory_space<vmem>>, vector<1x16xf32>,
        %parallel_loop3A_384 = vector.shape_cast %parallel_loop3A_383 : vector<1x16xf32> to vector<16xf32>
        %parallel_loop3A_385 = vector.shape_cast %parallel_loop3A_379 : vector<16xf32> to vector<1x16xf32>
        tpu.vector_store %arg7[%parallel_loop3A_381, %parallel_loop3A_382], %parallel_loop3A_385 {strides = array<i32>} : memref<8x2048xf32, #tpu.memory_space<vmem>>, vector<1x16xf32>,
        %parallel_loop3A_386 = arith.constant 5 : i32
        %parallel_loop3A_387 = arith.index_cast %parallel_loop3A_386 : i32 to index
        %parallel_loop3A_388 = arith.index_cast %parallel_loop3A_110 : i32 to index
        %parallel_loop3A_389 = tpu.vector_load %arg5[%parallel_loop3A_387, %parallel_loop3A_388] {strides = array<i32>} : memref<8x2048xf32, #tpu.memory_space<vmem>>, vector<1x16xf32>,
        %parallel_loop3A_390 = vector.shape_cast %parallel_loop3A_389 : vector<1x16xf32> to vector<16xf32>
        %parallel_loop3A_391 = tpu.bitcast %parallel_loop3A_390 : vector<16xf32> -> vector<16xi32>
        %parallel_loop3A_392 = arith.constant 2147483647 : i32
        %parallel_loop3A_393 = vector.broadcast %parallel_loop3A_392 : i32 to vector<16xi32>
        %parallel_loop3A_394 = arith.andi %parallel_loop3A_391, %parallel_loop3A_393 : vector<16xi32>
        %parallel_loop3A_395 = arith.constant 0 : i32
        %parallel_loop3A_396 = vector.broadcast %parallel_loop3A_395 : i32 to vector<16xi32>
        %parallel_loop3A_397 = arith.cmpi slt, %xor3A_4, %parallel_loop3A_396 : vector<16xi32>
        %parallel_loop3A_398 = arith.constant 16 : i32
        %parallel_loop3A_399 = vector.broadcast %parallel_loop3A_398 : i32 to vector<16xi32>
        %parallel_loop3A_400 = arith.addi %xor3A_4, %parallel_loop3A_399 : vector<16xi32>
        %parallel_loop3A_401 = arith.select %parallel_loop3A_397, %parallel_loop3A_400, %xor3A_4 : vector<16xi1>, vector<16xi32>
        %parallel_loop3A_402 = vector.shape_cast %parallel_loop3A_401 : vector<16xi32> to vector<16x1xi32>
        %parallel_loop3A_403 = vector.shape_cast %parallel_loop3A_402 : vector<16x1xi32> to vector<16xi32>
        %parallel_loop3A_404 = tpu.dynamic_gather %parallel_loop3A_394[%parallel_loop3A_403] in [0] : vector<16xi32>, vector<16xi32> -> vector<16xi32>
        %parallel_loop3A_405 = arith.cmpi sgt, %parallel_loop3A_404, %parallel_loop3A_394 : vector<16xi32>
        %parallel_loop3A_406 = arith.constant 0 : i32
        %parallel_loop3A_407 = vector.broadcast %parallel_loop3A_406 : i32 to vector<16xi32>
        %parallel_loop3A_408 = arith.cmpi slt, %xor3A_7, %parallel_loop3A_407 : vector<16xi32>
        %parallel_loop3A_409 = arith.constant 16 : i32
        %parallel_loop3A_410 = vector.broadcast %parallel_loop3A_409 : i32 to vector<16xi32>
        %parallel_loop3A_411 = arith.addi %xor3A_7, %parallel_loop3A_410 : vector<16xi32>
        %parallel_loop3A_412 = arith.select %parallel_loop3A_408, %parallel_loop3A_411, %xor3A_7 : vector<16xi1>, vector<16xi32>
        %parallel_loop3A_413 = vector.shape_cast %parallel_loop3A_412 : vector<16xi32> to vector<16x1xi32>
        %parallel_loop3A_414 = vector.shape_cast %parallel_loop3A_413 : vector<16x1xi32> to vector<16xi32>
        %parallel_loop3A_415 = tpu.dynamic_gather %parallel_loop3A_394[%parallel_loop3A_414] in [0] : vector<16xi32>, vector<16xi32> -> vector<16xi32>
        %parallel_loop3A_416 = arith.cmpi sgt, %parallel_loop3A_415, %parallel_loop3A_394 : vector<16xi32>
        %parallel_loop3A_417 = arith.constant 0 : i32
        %parallel_loop3A_418 = vector.broadcast %parallel_loop3A_417 : i32 to vector<16xi32>
        %parallel_loop3A_419 = arith.cmpi slt, %xor3A_10, %parallel_loop3A_418 : vector<16xi32>
        %parallel_loop3A_420 = arith.constant 16 : i32
        %parallel_loop3A_421 = vector.broadcast %parallel_loop3A_420 : i32 to vector<16xi32>
        %parallel_loop3A_422 = arith.addi %xor3A_10, %parallel_loop3A_421 : vector<16xi32>
        %parallel_loop3A_423 = arith.select %parallel_loop3A_419, %parallel_loop3A_422, %xor3A_10 : vector<16xi1>, vector<16xi32>
        %parallel_loop3A_424 = vector.shape_cast %parallel_loop3A_423 : vector<16xi32> to vector<16x1xi32>
        %parallel_loop3A_425 = vector.shape_cast %parallel_loop3A_424 : vector<16x1xi32> to vector<16xi32>
        %parallel_loop3A_426 = tpu.dynamic_gather %parallel_loop3A_394[%parallel_loop3A_425] in [0] : vector<16xi32>, vector<16xi32> -> vector<16xi32>
        %parallel_loop3A_427 = arith.cmpi sgt, %parallel_loop3A_426, %parallel_loop3A_394 : vector<16xi32>
        %parallel_loop3A_428 = arith.andi %parallel_loop3A_405, %parallel_loop3A_416 : vector<16xi1>
        %parallel_loop3A_429 = arith.ori %parallel_loop3A_405, %parallel_loop3A_416 : vector<16xi1>
        %parallel_loop3A_430 = arith.andi %parallel_loop3A_427, %parallel_loop3A_429 : vector<16xi1>
        %parallel_loop3A_431 = arith.ori %parallel_loop3A_428, %parallel_loop3A_430 : vector<16xi1>
        %parallel_loop3A_432 = arith.constant 0.000000e+00 : f32
        %parallel_loop3A_433 = vector.broadcast %parallel_loop3A_432 : f32 to vector<16xf32>
        %parallel_loop3A_434 = arith.select %parallel_loop3A_431, %parallel_loop3A_433, %parallel_loop3A_390 : vector<16xi1>, vector<16xf32>
        %parallel_loop3A_435 = arith.constant 5 : i32
        %parallel_loop3A_436 = arith.index_cast %parallel_loop3A_435 : i32 to index
        %parallel_loop3A_437 = arith.index_cast %parallel_loop3A_110 : i32 to index
        %parallel_loop3A_438 = tpu.vector_load %arg7[%parallel_loop3A_436, %parallel_loop3A_437] {strides = array<i32>} : memref<8x2048xf32, #tpu.memory_space<vmem>>, vector<1x16xf32>,
        %parallel_loop3A_439 = vector.shape_cast %parallel_loop3A_438 : vector<1x16xf32> to vector<16xf32>
        %parallel_loop3A_440 = vector.shape_cast %parallel_loop3A_434 : vector<16xf32> to vector<1x16xf32>
        tpu.vector_store %arg7[%parallel_loop3A_436, %parallel_loop3A_437], %parallel_loop3A_440 {strides = array<i32>} : memref<8x2048xf32, #tpu.memory_space<vmem>>, vector<1x16xf32>,
        %parallel_loop3A_441 = arith.constant 6 : i32
        %parallel_loop3A_442 = arith.index_cast %parallel_loop3A_441 : i32 to index
        %parallel_loop3A_443 = arith.index_cast %parallel_loop3A_110 : i32 to index
        %parallel_loop3A_444 = tpu.vector_load %arg5[%parallel_loop3A_442, %parallel_loop3A_443] {strides = array<i32>} : memref<8x2048xf32, #tpu.memory_space<vmem>>, vector<1x16xf32>,
        %parallel_loop3A_445 = vector.shape_cast %parallel_loop3A_444 : vector<1x16xf32> to vector<16xf32>
        %parallel_loop3A_446 = tpu.bitcast %parallel_loop3A_445 : vector<16xf32> -> vector<16xi32>
        %parallel_loop3A_447 = arith.constant 2147483647 : i32
        %parallel_loop3A_448 = vector.broadcast %parallel_loop3A_447 : i32 to vector<16xi32>
        %parallel_loop3A_449 = arith.andi %parallel_loop3A_446, %parallel_loop3A_448 : vector<16xi32>
        %parallel_loop3A_450 = arith.constant 0 : i32
        %parallel_loop3A_451 = vector.broadcast %parallel_loop3A_450 : i32 to vector<16xi32>
        %parallel_loop3A_452 = arith.cmpi slt, %xor3A_4, %parallel_loop3A_451 : vector<16xi32>
        %parallel_loop3A_453 = arith.constant 16 : i32
        %parallel_loop3A_454 = vector.broadcast %parallel_loop3A_453 : i32 to vector<16xi32>
        %parallel_loop3A_455 = arith.addi %xor3A_4, %parallel_loop3A_454 : vector<16xi32>
        %parallel_loop3A_456 = arith.select %parallel_loop3A_452, %parallel_loop3A_455, %xor3A_4 : vector<16xi1>, vector<16xi32>
        %parallel_loop3A_457 = vector.shape_cast %parallel_loop3A_456 : vector<16xi32> to vector<16x1xi32>
        %parallel_loop3A_458 = vector.shape_cast %parallel_loop3A_457 : vector<16x1xi32> to vector<16xi32>
        %parallel_loop3A_459 = tpu.dynamic_gather %parallel_loop3A_449[%parallel_loop3A_458] in [0] : vector<16xi32>, vector<16xi32> -> vector<16xi32>
        %parallel_loop3A_460 = arith.cmpi sgt, %parallel_loop3A_459, %parallel_loop3A_449 : vector<16xi32>
        %parallel_loop3A_461 = arith.constant 0 : i32
        %parallel_loop3A_462 = vector.broadcast %parallel_loop3A_461 : i32 to vector<16xi32>
        %parallel_loop3A_463 = arith.cmpi slt, %xor3A_7, %parallel_loop3A_462 : vector<16xi32>
        %parallel_loop3A_464 = arith.constant 16 : i32
        %parallel_loop3A_465 = vector.broadcast %parallel_loop3A_464 : i32 to vector<16xi32>
        %parallel_loop3A_466 = arith.addi %xor3A_7, %parallel_loop3A_465 : vector<16xi32>
        %parallel_loop3A_467 = arith.select %parallel_loop3A_463, %parallel_loop3A_466, %xor3A_7 : vector<16xi1>, vector<16xi32>
        %parallel_loop3A_468 = vector.shape_cast %parallel_loop3A_467 : vector<16xi32> to vector<16x1xi32>
        %parallel_loop3A_469 = vector.shape_cast %parallel_loop3A_468 : vector<16x1xi32> to vector<16xi32>
        %parallel_loop3A_470 = tpu.dynamic_gather %parallel_loop3A_449[%parallel_loop3A_469] in [0] : vector<16xi32>, vector<16xi32> -> vector<16xi32>
        %parallel_loop3A_471 = arith.cmpi sgt, %parallel_loop3A_470, %parallel_loop3A_449 : vector<16xi32>
        %parallel_loop3A_472 = arith.constant 0 : i32
        %parallel_loop3A_473 = vector.broadcast %parallel_loop3A_472 : i32 to vector<16xi32>
        %parallel_loop3A_474 = arith.cmpi slt, %xor3A_10, %parallel_loop3A_473 : vector<16xi32>
        %parallel_loop3A_475 = arith.constant 16 : i32
        %parallel_loop3A_476 = vector.broadcast %parallel_loop3A_475 : i32 to vector<16xi32>
        %parallel_loop3A_477 = arith.addi %xor3A_10, %parallel_loop3A_476 : vector<16xi32>
        %parallel_loop3A_478 = arith.select %parallel_loop3A_474, %parallel_loop3A_477, %xor3A_10 : vector<16xi1>, vector<16xi32>
        %parallel_loop3A_479 = vector.shape_cast %parallel_loop3A_478 : vector<16xi32> to vector<16x1xi32>
        %parallel_loop3A_480 = vector.shape_cast %parallel_loop3A_479 : vector<16x1xi32> to vector<16xi32>
        %parallel_loop3A_481 = tpu.dynamic_gather %parallel_loop3A_449[%parallel_loop3A_480] in [0] : vector<16xi32>, vector<16xi32> -> vector<16xi32>
        %parallel_loop3A_482 = arith.cmpi sgt, %parallel_loop3A_481, %parallel_loop3A_449 : vector<16xi32>
        %parallel_loop3A_483 = arith.andi %parallel_loop3A_460, %parallel_loop3A_471 : vector<16xi1>
        %parallel_loop3A_484 = arith.ori %parallel_loop3A_460, %parallel_loop3A_471 : vector<16xi1>
        %parallel_loop3A_485 = arith.andi %parallel_loop3A_482, %parallel_loop3A_484 : vector<16xi1>
        %parallel_loop3A_486 = arith.ori %parallel_loop3A_483, %parallel_loop3A_485 : vector<16xi1>
        %parallel_loop3A_487 = arith.constant 0.000000e+00 : f32
        %parallel_loop3A_488 = vector.broadcast %parallel_loop3A_487 : f32 to vector<16xf32>
        %parallel_loop3A_489 = arith.select %parallel_loop3A_486, %parallel_loop3A_488, %parallel_loop3A_445 : vector<16xi1>, vector<16xf32>
        %parallel_loop3A_490 = arith.constant 6 : i32
        %parallel_loop3A_491 = arith.index_cast %parallel_loop3A_490 : i32 to index
        %parallel_loop3A_492 = arith.index_cast %parallel_loop3A_110 : i32 to index
        %parallel_loop3A_493 = tpu.vector_load %arg7[%parallel_loop3A_491, %parallel_loop3A_492] {strides = array<i32>} : memref<8x2048xf32, #tpu.memory_space<vmem>>, vector<1x16xf32>,
        %parallel_loop3A_494 = vector.shape_cast %parallel_loop3A_493 : vector<1x16xf32> to vector<16xf32>
        %parallel_loop3A_495 = vector.shape_cast %parallel_loop3A_489 : vector<16xf32> to vector<1x16xf32>
        tpu.vector_store %arg7[%parallel_loop3A_491, %parallel_loop3A_492], %parallel_loop3A_495 {strides = array<i32>} : memref<8x2048xf32, #tpu.memory_space<vmem>>, vector<1x16xf32>,
        %parallel_loop3A_496 = arith.constant 7 : i32
        %parallel_loop3A_497 = arith.index_cast %parallel_loop3A_496 : i32 to index
        %parallel_loop3A_498 = arith.index_cast %parallel_loop3A_110 : i32 to index
        %parallel_loop3A_499 = tpu.vector_load %arg5[%parallel_loop3A_497, %parallel_loop3A_498] {strides = array<i32>} : memref<8x2048xf32, #tpu.memory_space<vmem>>, vector<1x16xf32>,
        %parallel_loop3A_500 = vector.shape_cast %parallel_loop3A_499 : vector<1x16xf32> to vector<16xf32>
        %parallel_loop3A_501 = tpu.bitcast %parallel_loop3A_500 : vector<16xf32> -> vector<16xi32>
        %parallel_loop3A_502 = arith.constant 2147483647 : i32
        %parallel_loop3A_503 = vector.broadcast %parallel_loop3A_502 : i32 to vector<16xi32>
        %parallel_loop3A_504 = arith.andi %parallel_loop3A_501, %parallel_loop3A_503 : vector<16xi32>
        %parallel_loop3A_505 = arith.constant 0 : i32
        %parallel_loop3A_506 = vector.broadcast %parallel_loop3A_505 : i32 to vector<16xi32>
        %parallel_loop3A_507 = arith.cmpi slt, %xor3A_4, %parallel_loop3A_506 : vector<16xi32>
        %parallel_loop3A_508 = arith.constant 16 : i32
        %parallel_loop3A_509 = vector.broadcast %parallel_loop3A_508 : i32 to vector<16xi32>
        %parallel_loop3A_510 = arith.addi %xor3A_4, %parallel_loop3A_509 : vector<16xi32>
        %parallel_loop3A_511 = arith.select %parallel_loop3A_507, %parallel_loop3A_510, %xor3A_4 : vector<16xi1>, vector<16xi32>
        %parallel_loop3A_512 = vector.shape_cast %parallel_loop3A_511 : vector<16xi32> to vector<16x1xi32>
        %parallel_loop3A_513 = vector.shape_cast %parallel_loop3A_512 : vector<16x1xi32> to vector<16xi32>
        %parallel_loop3A_514 = tpu.dynamic_gather %parallel_loop3A_504[%parallel_loop3A_513] in [0] : vector<16xi32>, vector<16xi32> -> vector<16xi32>
        %parallel_loop3A_515 = arith.cmpi sgt, %parallel_loop3A_514, %parallel_loop3A_504 : vector<16xi32>
        %parallel_loop3A_516 = arith.constant 0 : i32
        %parallel_loop3A_517 = vector.broadcast %parallel_loop3A_516 : i32 to vector<16xi32>
        %parallel_loop3A_518 = arith.cmpi slt, %xor3A_7, %parallel_loop3A_517 : vector<16xi32>
        %parallel_loop3A_519 = arith.constant 16 : i32
        %parallel_loop3A_520 = vector.broadcast %parallel_loop3A_519 : i32 to vector<16xi32>
        %parallel_loop3A_521 = arith.addi %xor3A_7, %parallel_loop3A_520 : vector<16xi32>
        %parallel_loop3A_522 = arith.select %parallel_loop3A_518, %parallel_loop3A_521, %xor3A_7 : vector<16xi1>, vector<16xi32>
        %parallel_loop3A_523 = vector.shape_cast %parallel_loop3A_522 : vector<16xi32> to vector<16x1xi32>
        %parallel_loop3A_524 = vector.shape_cast %parallel_loop3A_523 : vector<16x1xi32> to vector<16xi32>
        %parallel_loop3A_525 = tpu.dynamic_gather %parallel_loop3A_504[%parallel_loop3A_524] in [0] : vector<16xi32>, vector<16xi32> -> vector<16xi32>
        %parallel_loop3A_526 = arith.cmpi sgt, %parallel_loop3A_525, %parallel_loop3A_504 : vector<16xi32>
        %parallel_loop3A_527 = arith.constant 0 : i32
        %parallel_loop3A_528 = vector.broadcast %parallel_loop3A_527 : i32 to vector<16xi32>
        %parallel_loop3A_529 = arith.cmpi slt, %xor3A_10, %parallel_loop3A_528 : vector<16xi32>
        %parallel_loop3A_530 = arith.constant 16 : i32
        %parallel_loop3A_531 = vector.broadcast %parallel_loop3A_530 : i32 to vector<16xi32>
        %parallel_loop3A_532 = arith.addi %xor3A_10, %parallel_loop3A_531 : vector<16xi32>
        %parallel_loop3A_533 = arith.select %parallel_loop3A_529, %parallel_loop3A_532, %xor3A_10 : vector<16xi1>, vector<16xi32>
        %parallel_loop3A_534 = vector.shape_cast %parallel_loop3A_533 : vector<16xi32> to vector<16x1xi32>
        %parallel_loop3A_535 = vector.shape_cast %parallel_loop3A_534 : vector<16x1xi32> to vector<16xi32>
        %parallel_loop3A_536 = tpu.dynamic_gather %parallel_loop3A_504[%parallel_loop3A_535] in [0] : vector<16xi32>, vector<16xi32> -> vector<16xi32>
        %parallel_loop3A_537 = arith.cmpi sgt, %parallel_loop3A_536, %parallel_loop3A_504 : vector<16xi32>
        %parallel_loop3A_538 = arith.andi %parallel_loop3A_515, %parallel_loop3A_526 : vector<16xi1>
        %parallel_loop3A_539 = arith.ori %parallel_loop3A_515, %parallel_loop3A_526 : vector<16xi1>
        %parallel_loop3A_540 = arith.andi %parallel_loop3A_537, %parallel_loop3A_539 : vector<16xi1>
        %parallel_loop3A_541 = arith.ori %parallel_loop3A_538, %parallel_loop3A_540 : vector<16xi1>
        %parallel_loop3A_542 = arith.constant 0.000000e+00 : f32
        %parallel_loop3A_543 = vector.broadcast %parallel_loop3A_542 : f32 to vector<16xf32>
        %parallel_loop3A_544 = arith.select %parallel_loop3A_541, %parallel_loop3A_543, %parallel_loop3A_500 : vector<16xi1>, vector<16xf32>
        %parallel_loop3A_545 = arith.constant 7 : i32
        %parallel_loop3A_546 = arith.index_cast %parallel_loop3A_545 : i32 to index
        %parallel_loop3A_547 = arith.index_cast %parallel_loop3A_110 : i32 to index
        %parallel_loop3A_548 = tpu.vector_load %arg7[%parallel_loop3A_546, %parallel_loop3A_547] {strides = array<i32>} : memref<8x2048xf32, #tpu.memory_space<vmem>>, vector<1x16xf32>,
        %parallel_loop3A_549 = vector.shape_cast %parallel_loop3A_548 : vector<1x16xf32> to vector<16xf32>
        %parallel_loop3A_550 = vector.shape_cast %parallel_loop3A_544 : vector<16xf32> to vector<1x16xf32>
        tpu.vector_store %arg7[%parallel_loop3A_546, %parallel_loop3A_547], %parallel_loop3A_550 {strides = array<i32>} : memref<8x2048xf32, #tpu.memory_space<vmem>>, vector<1x16xf32>,
      } {sc.loop_unroll_factor = 1 : i64, sc.parallel_access}
      %lt3A_94 = arith.constant 31 : i32
      %lt3A_95 = arith.cmpi slt, %scan3A_38, %lt3A_94 : i32
      %convert_element_type3A_96 = arith.extui %lt3A_95 : i1 to i32
      %cond3A_97 = arith.constant 0 : i32
      %cond3A_98 = arith.cmpi ne, %convert_element_type3A_96, %cond3A_97 : i32
      scf.if %cond3A_98 {
        %add3A_110 = arith.constant 2 : i32
        %add3A_111 = arith.addi %add3A_74, %add3A_110 : i32
        %shift_right_arithmetic3A_112 = arith.constant 2 : i32
        %shift_right_arithmetic3A_113 = arith.shrsi %add3A_111, %shift_right_arithmetic3A_112 : i32
        %mul3A_114 = arith.constant 8 : i32
        %mul3A_115 = arith.muli %shift_right_arithmetic3A_113, %mul3A_114 : i32
        %add3A_116 = arith.addi %mul3A_2, %mul3A_115 : i32
        %and3A_117 = arith.constant 3 : i32
        %and3A_118 = arith.andi %add3A_111, %and3A_117 : i32
        %mul3A_119 = arith.constant 2048 : i32
        %mul3A_120 = arith.muli %and3A_118, %mul3A_119 : i32
        %dma_start3A_121 = tpu.memref_slice %arg2[%add3A_116, %mul3A_120] : memref<4096x8192xf32, #tpu.memory_space<hbm>> -> memref<8x2048xf32, #tpu.memory_space<hbm>>
        %dma_start3A_122 = tpu.memref_slice %arg2[%add3A_116, %mul3A_120] : memref<4096x8192xf32, #tpu.memory_space<hbm>> -> memref<8x2048xf32, #tpu.memory_space<hbm>>
        tpu.enqueue_dma source(%dma_start3A_122 : memref<8x2048xf32, #tpu.memory_space<hbm>>) target(%arg5 : memref<8x2048xf32, #tpu.memory_space<vmem>>) target_semaphore(%arg9 : memref<!tpu.dma_semaphore, #tpu.memory_space<semaphore_mem>>)
      } else {
      }
      %shift_right_arithmetic3A_99 = arith.constant 2 : i32
      %shift_right_arithmetic3A_100 = arith.shrsi %add3A_74, %shift_right_arithmetic3A_99 : i32
      %mul3A_101 = arith.constant 8 : i32
      %mul3A_102 = arith.muli %shift_right_arithmetic3A_100, %mul3A_101 : i32
      %add3A_103 = arith.addi %mul3A_2, %mul3A_102 : i32
      %and3A_104 = arith.constant 3 : i32
      %and3A_105 = arith.andi %add3A_74, %and3A_104 : i32
      %mul3A_106 = arith.constant 2048 : i32
      %mul3A_107 = arith.muli %and3A_105, %mul3A_106 : i32
      %dma_start3A_108 = tpu.memref_slice %arg3[%add3A_103, %mul3A_107] : memref<4096x8192xf32, #tpu.memory_space<hbm>> -> memref<8x2048xf32, #tpu.memory_space<hbm>>
      %dma_start3A_109 = tpu.memref_slice %arg3[%add3A_103, %mul3A_107] : memref<4096x8192xf32, #tpu.memory_space<hbm>> -> memref<8x2048xf32, #tpu.memory_space<hbm>>
      tpu.enqueue_dma source(%arg7 : memref<8x2048xf32, #tpu.memory_space<vmem>>) target(%dma_start3A_109 : memref<8x2048xf32, #tpu.memory_space<hbm>>) target_semaphore(%arg11 : memref<!tpu.dma_semaphore, #tpu.memory_space<semaphore_mem>>)
    }
    %scan3A_26 = arith.constant 32 : i32
    %add3A_27 = arith.constant 120 : i32
    %add3A_28 = arith.addi %mul3A_2, %add3A_27 : i32
    %dma_wait3A = arith.constant 4096 : i32
    %dma_wait3A_29 = tpu.memref_slice %arg3[%add3A_28, %dma_wait3A] : memref<4096x8192xf32, #tpu.memory_space<hbm>> -> memref<8x2048xf32, #tpu.memory_space<hbm>>
    %dma_wait3A_30 = arith.constant 4096 : i32
    %dma_wait3A_31 = tpu.memref_slice %arg3[%add3A_28, %dma_wait3A_30] : memref<4096x8192xf32, #tpu.memory_space<hbm>> -> memref<8x2048xf32, #tpu.memory_space<hbm>>
    tpu.wait_dma2 semaphore(%arg10 : memref<!tpu.dma_semaphore, #tpu.memory_space<semaphore_mem>>) src(%arg6 : memref<8x2048xf32, #tpu.memory_space<vmem>>) dst(%dma_wait3A_31 : memref<8x2048xf32, #tpu.memory_space<hbm>>)
    %add3A_32 = arith.constant 120 : i32
    %add3A_33 = arith.addi %mul3A_2, %add3A_32 : i32
    %dma_wait3A_34 = arith.constant 6144 : i32
    %dma_wait3A_35 = tpu.memref_slice %arg3[%add3A_33, %dma_wait3A_34] : memref<4096x8192xf32, #tpu.memory_space<hbm>> -> memref<8x2048xf32, #tpu.memory_space<hbm>>
    %dma_wait3A_36 = arith.constant 6144 : i32
    %dma_wait3A_37 = tpu.memref_slice %arg3[%add3A_33, %dma_wait3A_36] : memref<4096x8192xf32, #tpu.memory_space<hbm>> -> memref<8x2048xf32, #tpu.memory_space<hbm>>
    tpu.wait_dma2 semaphore(%arg11 : memref<!tpu.dma_semaphore, #tpu.memory_space<semaphore_mem>>) src(%arg7 : memref<8x2048xf32, #tpu.memory_space<vmem>>) dst(%dma_wait3A_37 : memref<8x2048xf32, #tpu.memory_space<hbm>>)
    return
  }
}

</mosaic_0001>

<sc_bundles>
// kernel: kernel.3.cloned.1.call-start
scs
__scs_entry_jumppad:
0x0: {  	(pc) =	sbr.rel $0x88, $3  }
0x1: {  	(tag) =	ssettag $0x0;
	lr =	simm.s32 $0x1  }
0x2: {  	[smem:$0x3FA0] =	sst lr;
	_ =	strace $0xD0000000  }
0x3: {  	_ = 	snop  }
0x4: {  	_ = 	snop  }
0x5: {  	_ = 	snop  }
0x6: {  	_ = 	snop  }
0x7: {  	_ = 	snop  }
__scs_overlays_trampoline_lowered:
0x8: {  	[smem:$0x3FAF] =	sst s0  }
0x9: {  	[smem:$0x3FB0] =	sst s1  }
0xa: {  	[smem:$0x3FB1] =	sst s2  }
0xb: {  	[smem:$0x3FB2] =	sst s3  }
0xc: {  	[smem:$0x3FB3] =	sst s4  }
0xd: {  	[smem:$0x3FB4] =	sst s5  }
0xe: {  	[smem:$0x3FB5] =	sst s6  }
0xf: {  	[smem:$0x3FB6] =	sst s7  }
0x10: {  	[smem:$0x3FB7] =	sst s8  }
0x11: {  	[smem:$0x3FB8] =	sst s9;
	s0 =	simm.s32 @!p0 $0x0  }
0x12: {  	s1 =	sld [smem:$0x3F9E];
	s0 =	simm.s32 @p0 $0x1  }
0x13: {  	[smem:$0x3FB9] =	sst s0;
	s0 =	simm.s32 @!p1 $0x0  }
0x14: {  	s2 =	sld [smem:$0x3F9D];
	s0 =	simm.s32 @p1 $0x1  }
0x15: {  	[smem:$0x3FBA] =	sst s0;
	s0 =	simm.s32 @!p2 $0x0  }
0x16: {  	s3 =	sld [smem:$0x3FDB];
	s0 =	simm.s32 @p2 $0x1  }
0x17: {  	s4 =	simm.s32 $0x1BF5;
	[smem:$0x3FBC] =	sst s0  }
0x18: {  	s0 =	sld [smem:$0x3F9F];
	_ =	swait.ge [sflag:s4], $0x0  }
0x19: {  	s7 =	sld [smem:$0x3FA0]  }
0x1a: {  	s8 =	sadd.s32 $0xFFFFE003, lr  }
0x1b: {  	s9 =	sadd.s32 $0xFFFFFEF7, lr;
	s5 =	simm.s32 $0xFFFFFFFF;
	p2 =	slt.u32 s8, $0xFFFFF086  }
0x1c: {  	p1 =	slt.u32 s9, $0xF7A;
	s5 =	simm.s32 @!p2 $0x0  }
0x1d: {  	s5 =	simm.s32 @p1 $0x1;
	p0 =	seq.s32 s7, s2  }
0x1e: {  	s7 =	smul.u32 @!p0 $0xF7A, s2;
	p2 =	seq.s32 @!p0 s5, $0x0  }
0x1f: {  	s9 =	smul.u32 $0xF7A, s1;
	s8 =	simm.s32 @!p0 $0x1BF5;
	p2 =	por !p2, p0  }
0x20: {  	[sflag:s8] =	ssyncset.s32 @!p0 $0xFFFFF086;
	s6 =	sadd.s32 @!p0 s3, s7;
	s7 =	simm.s32 @!p0 $0x108  }
0x21: {  	s3 =	sadd.s32 s3, s9;
	s6 =	sadd.s32 @!p0 $0x88, s6;
	s7 =	simm.s32 @p2 $0x1082  }
0x22: {  	[simem:s7], [sflag:s8] =	dma.local @!p0 [hbm:s6], $0xF7A  }
0x23: {  	s9 =	sor.u32 $0xD0000000, s2;
	s6 =	simm.s32 $0x108;
	_ =	swait.ge @!p0 [sflag:s8], $0x0  }
0x24: {  	s3 =	sadd.s32 $0x88, s3;
	s6 =	simm.s32 @!p1 $0x1082;
	[sflag:s4] =	ssyncset.s32 $0xFFFFF086  }
0x25: {  	[simem:s6], [sflag:s4] =	dma.local [hbm:s3], $0xF7A  }
0x26: {  	[smem:$0x3FA0] =	sst s1;
	(tag) =	ssettag s2;
	_ =	strace s9  }
0x27: {  	s1 =	sld [smem:$0x3FB0]  }
0x28: {  	s2 =	sld [smem:$0x3FB1]  }
0x29: {  	s4 =	sld [smem:$0x3FB3]  }
0x2a: {  	p0 =	seq.s32 s5, $0x0;
	s5 =	sld [smem:$0x3FB4]  }
0x2b: {  	s6 =	sld [smem:$0x3FB5]  }
0x2c: {  	s7 =	sld [smem:$0x3FB6]  }
0x2d: {  	s3 =	simm.s32 $0x108;
	s8 =	sld [smem:$0x3FB7]  }
0x2e: {  	s3 =	simm.s32 @!p0 $0x1082;
	s9 =	sld [smem:$0x3FB8]  }
0x2f: {  	lr =	sadd.s32 s0, s3;
	s0 =	sld [smem:$0x3FAF]  }
0x30: {  	s3 =	sld [smem:$0x3FB2]  }
0x31: {  	[smem:$0x3FBB] =	sst s10  }
0x32: {  	s10 =	sld [smem:$0x3FB9];
	_ =	sdelay $0x3  }
0x33: {  	p0 =	seq.s32 s10, $0x1;
	s10 =	sld [smem:$0x3FBB];
	_ =	sdelay $0x3  }
0x34: {  	[smem:$0x3FBB] =	sst s10  }
0x35: {  	s10 =	sld [smem:$0x3FBA];
	_ =	sdelay $0x3  }
0x36: {  	p1 =	seq.s32 s10, $0x1;
	s10 =	sld [smem:$0x3FBB];
	_ =	sdelay $0x3  }
0x37: {  	[smem:$0x3FBB] =	sst s10  }
0x38: {  	s10 =	sld [smem:$0x3FBC]  }
0x39: {  	_ = 	snop;
	(pc) =	sbr.ind lr, $3  }
0x3a: {  	_ = 	snop  }
0x3b: {  	_ = 	snop  }
0x3c: {  	p2 =	seq.s32 s10, $0x1;
	s10 =	sld [smem:$0x3FBB]  }
0x3d: {  	_ =	shalt  }
0x3e: {  	_ =	shalt  }
0x3f: {  	_ =	shalt  }
0x40: {  	_ =	shalt  }
0x41: {  	_ =	shalt  }
0x42: {  	_ =	shalt  }
0x43: {  	_ =	shalt  }
0x44: {  	_ =	shalt  }
0x45: {  	_ =	shalt  }
0x46: {  	_ =	shalt  }
0x47: {  	_ =	shalt  }
0x48: {  	_ =	shalt  }
0x49: {  	_ =	shalt  }
0x4a: {  	_ =	shalt  }
0x4b: {  	_ =	shalt  }
0x4c: {  	_ =	shalt  }
0x4d: {  	_ =	shalt  }
0x4e: {  	_ =	shalt  }
0x4f: {  	_ =	shalt  }
0x50: {  	_ =	shalt  }
0x51: {  	_ =	shalt  }
0x52: {  	_ =	shalt  }
0x53: {  	_ =	shalt  }
0x54: {  	_ =	shalt  }
0x55: {  	_ =	shalt  }
0x56: {  	_ =	shalt  }
0x57: {  	_ =	shalt  }
0x58: {  	_ =	shalt  }
0x59: {  	_ =	shalt  }
0x5a: {  	_ =	shalt  }
0x5b: {  	_ =	shalt  }
0x5c: {  	_ =	shalt  }
0x5d: {  	_ =	shalt  }
0x5e: {  	_ =	shalt  }
0x5f: {  	_ =	shalt  }
0x60: {  	_ =	shalt  }
0x61: {  	_ =	shalt  }
0x62: {  	_ =	shalt  }
0x63: {  	_ =	shalt  }
0x64: {  	_ =	shalt  }
0x65: {  	_ =	shalt  }
0x66: {  	_ =	shalt  }
0x67: {  	_ =	shalt  }
0x68: {  	_ =	shalt  }
0x69: {  	_ =	shalt  }
0x6a: {  	_ =	shalt  }
0x6b: {  	_ =	shalt  }
0x6c: {  	_ =	shalt  }
0x6d: {  	_ =	shalt  }
0x6e: {  	_ =	shalt  }
0x6f: {  	_ =	shalt  }
0x70: {  	_ =	shalt  }
0x71: {  	_ =	shalt  }
0x72: {  	_ =	shalt  }
0x73: {  	_ =	shalt  }
0x74: {  	_ =	shalt  }
0x75: {  	_ =	shalt  }
0x76: {  	_ =	shalt  }
0x77: {  	_ =	shalt  }
0x78: {  	_ =	shalt  }
0x79: {  	_ =	shalt  }
0x7a: {  	_ =	shalt  }
0x7b: {  	_ =	shalt  }
0x7c: {  	_ =	shalt  }
0x7d: {  	_ =	shalt  }
0x7e: {  	_ =	shalt  }
0x7f: {  	_ =	shalt  }
0x80: {  	_ =	shalt  }
0x81: {  	_ =	shalt  }
0x82: {  	_ =	shalt  }
0x83: {  	_ =	shalt  }
0x84: {  	_ =	shalt  }
0x85: {  	_ =	shalt  }
0x86: {  	_ =	shalt  }
0x87: {  	_ =	shalt  }
.Lfunc_end0:
.L_simem_size_0:
called_computation_lowered:
.L_overlay_start_0:
0x88: {  	s2 =	sld [smem:$0x3FD9]  }
0x89: {  	s3 =	sld [smem:$0x3FFE];
	_ =	sdelay $0x1  }
0x8a: {  	s1 =	srdreg.scid  }
0x8b: {  	s0 =	sand.u32 $0x1, s1  }
0x8c: {  	s18 =	sshll.u32 s0, $0xA;
	s2 =	sadd.s32 s3, s2  }
0x8d: {  	s2 =	sadd.s32 s2, s18  }
0x8e: {  	[smem:$0x3FC7] =	sst s2  }
0x8f: {  	_ = 	snop  }
0x90: {  	s2 =	sld [smem:$0x3FC9]  }
0x91: {  	s19 =	sld [smem:$0x3FD0];
	(tm) =	ssettm $0x1  }
0x92: {  	s4 =	sld [smem:$0x3FFB];
	_ =	sdelay $0x3  }
0x93: {  	_ =	strace s4  }
0x94: {  	s4 =	sld [smem:$0x3FFC];
	_ =	sdelay $0x3  }
0x95: {  	_ =	strace s4  }
0x96: {  	s4 =	sld [smem:$0x3FFD];
	_ =	sdelay $0x3  }
0x97: {  	_ =	strace s4  }
0x98: {  	_ =	strace $0x8FFFFFFF  }
0x99: {  	s20 =	sld [smem:$0x3FDB];
	_ =	sdelay $0x1  }
0x9a: {  	s5 =	simm.s32 $_scs_section_size  }
0x9b: {  	s6 =	simm.s32 $_size__tile_overlayer_lowered;
	s7 =	simm.s32 $_tile_overlayer_lowered  }
0x9c: {  	s23 =	simm.s32 $0x1BFF;
	s22 =	sshll.u32 s7, $0x1;
	s4 =	sadd.s32 s5, s20  }
0x9d: {  	s8 =	simm.s32 $0x0;
	s21 =	sshll.u32 s6, $0x1;
	s6 =	sadd.s32 s22, s4  }
0x9e: {  	[timem:s8], [sflag:s23] =	dma.local [hbm:s6], s21  }
0x9f: {  	_ =	swait.ge [sflag:s23], s21  }
0xa0: {  	s5 =	ssub.s32 $0x0, s21;
	[sflag:s23] =	ssyncset.done $0x0  }
0xa1: {  	[sflag:s23] =	ssyncadd.s32 s5;
	_ =	sdelay $0x1  }
0xa2: {  	s24 =	simm.s32 $0x1B8B  }
0xa3: {  	_ =	swait.ge [sflag:s24], $0x1  }
0xa4: {  	[sflag:s24] =	ssyncset.done $0x0  }
0xa5: {  	s25 =	simm.s32 $0x1B8E;
	[sflag:s24] =	ssyncadd.s32 $0xFFFFFFFF  }
0xa6: {  	s26 =	simm.s32 $execute0_lowered;
	[smem:$0x3FD2] =	sst s25  }
0xa7: {  	s5 =	sshll.u32 s26, $0x1;
	_ =	strace $0x80000046;
	[dreg:$0x1] =	wrdreg $0xFFFFFFFF  }
0xa8: {  	s28 =	simm.s32 $_size_execute0_lowered;
	s4 =	sadd.s32 s4, s5;
	[dreg:$0x0] =	wrdreg $0x0  }
0xa9: {  	s5 =	sshll.u32 s28, $0x1;
	[dreg:$0x2] =	wrdreg s4  }
0xaa: {  	[dreg:$0x3] =	wrdreg s5  }
0xab: {  	[dreg:$0x4] =	wrdreg $0xC0  }
0xac: {  	_ =	task [dreg:s8], $0x5FFFF  }
0xad: {  	[dreg:$0x1] =	wrdreg $0xFFFFFFFF  }
0xae: {  	[dreg:$0x0] =	wrdreg $0x60  }
0xaf: {  	[dreg:$0x2] =	wrdreg s2  }
0xb0: {  	[dreg:$0x3] =	wrdreg s19  }
0xb1: {  	[dreg:$0x4] =	wrdreg $0x9  }
0xb2: {  	_ =	task.clear_ibuf [dreg:s8], $0x5FFFF;
	_ =	strace $0x90000046  }
0xb3: {  	s29 =	simm.s32 $0x9;
	_ =	strace $0x80000048  }
0xb4: {  	_ =	swait.ge [sflag:s29], $0x1  }
0xb5: {  	[sflag:s29] =	ssyncadd.s32 $0xFFFFFFFF  }
0xb6: {  	_ =	strace $0x90000048  }
0xb7: {  	_ =	sfence  }
0xb8: {  	s30 =	sld [smem:$0x0];
	_ =	sdelay $0x2  }
0xb9: {  	s31 =	sshll.u32 s1, $0xD;
	s1 =	sshrl.u32 s1, $0x2  }
0xba: {  	s3 =	sand.u32 $0x4000, s31;
	s1 =	sadd.s32 s1, s30  }
0xbb: {  	s0 =	sor.u32 s3, s0;
	s1 =	sshll.u32 s1, $0x11  }
0xbc: {  	s0 =	sor.u32 s1, s0  }
0xbd: {  	s0 =	sadd.s32 $0x8F2B, s0  }
0xbe: {  	[sflag:s0] =	ssyncadd.remote.s32 $0x1  }
0xbf: {  	_ =	sfence.sel $0xFFFF  }
0xc0: {  	[dreg:$0x0] =	wrdreg $0xFFFFFFFF;
	(pc) =	sbr.abs _section_cstart, $3  }
0xc1: {  	[dreg:$0x1] =	wrdreg $0xFFFFFFFF  }
0xc2: {  	_ =	task.clear_ibuf [dreg:s8], $0x2FFFF;
	_ =	strace $0x9FFFFFFF  }
0xc3: {  	(tm) =	ssettm $0x7FFFFFFF  }
tec
execute0_lowered:
.L_overlay_start_1:
0x0: {  	(tag) =	ssettag $0x1  }
0x1: {  	v0 =	vimm.s32 $0xEFCDAB89;
	v1 =	vimm.s32 $0x67452301;
	v2 =	vimm.s32 $0xDCFE98BA  }
0x2: {  	s2 =	srdreg.scid;
	s1 =	rddreg [dreg:$0x0];
	v3 =	vimm.s32 $0x54761032;
	v4 =	vimm.s32 $0xCDEF89AB;
	v5 =	vimm.s32 $0x45670123  }
0x3: {  	s0 =	stileid.u32;
	s3 =	rddreg [dreg:$0x1];
	s9 =	simm.s32 $0x4000;
	v0 =	vunpack.c.l.s4.s8 v0;
	v1 =	vunpack.c.l.s4.s8 v1;
	v2 =	vunpack.c.l.s4.s8 v2  }
0x4: {  	s10 =	simm.s32 $0x1;
	s11 =	simm.s32 $0x8000;
	s12 =	simm.s32 $0x2;
	v3 =	vunpack.c.l.s4.s8 v3;
	v4 =	vunpack.c.l.s4.s8 v4;
	v5 =	vunpack.c.l.s4.s8 v5  }
0x5: {  	s13 =	simm.s32 $0xC000;
	s14 =	simm.s32 $0x3;
	s6 =	sand.u32 $0x1, s2;
	v0 =	vunpack.c.0.s8.s32 v0;
	v1 =	vunpack.c.0.s8.s32 v1;
	v2 =	vunpack.c.0.s8.s32 v2  }
0x6: {  	s15 =	simm.s32 $0x4;
	s4 =	sshll.u32 s0, $0x8;
	s5 =	sshll.u32 s6, $0x7;
	v3 =	vunpack.c.0.s8.s32 v3;
	v4 =	vunpack.c.0.s8.s32 v4;
	v5 =	vunpack.c.0.s8.s32 v5  }
0x7: {  	s16 =	simm.s32 $0x0;
	s7 =	ssub.s32 $0x2, s6;
	s4 =	sor.u32 s5, s4;
	v0 =	vcombine.low v1, v0  }
0x8: {  	s5 =	simm.s32 $0x0;
	s8 =	sshrl.u32 s7, $0x1;
	s31 =	sshll.u32 s4, $0xA;
	v1 =	vcombine.low v3, v2;
	v2 =	vcombine.low v5, v4  }
0x9: {  	[smem:$0x7FF] =	sst s5;
	s8 =	ssub.s32 s7, s8;
	s6 =	sadd.s32 s1, s31  }
0xa: {  	_ =	strace $0x80000047;
	s8 =	smax.u32 s8, $0x1;
	s7 =	sadd.s32 $0x800, s6;
	v0 =	vand.u32 $0xF, v0;
	v1 =	vand.u32 $0xF, v1;
	v2 =	vand.u32 $0xF, v2  }
.LBB2_1:
0xb: {  	[tilespmem:s5], [sflag:$0x1] =	stream.linear.gather [hbm4b:s6+s5], $0x4000, $0x38;
	[tilespmem:$0x10000] =	vst v63  }
0xc: {  	s17 =	simm.s32 $0x0  }
0xd: {  	[tilespmem:s9], [sflag:$0x2] =	stream.linear.gather [hbm4b:s7+s5], $0x4000, $0x38;
	[tilespmem:$0x10000] =	vst v63  }
.LBB2_2:
0xe: {  	_ =	swait.ge [sflag:s10], $0x4000  }
0xf: {  	p1 =	seq.s32 s17, $0x0;
	[sflag:s10] =	ssyncset.done $0x0  }
0x10: {  	s18 =	simm.s32 @!p1 $0x3;
	[sflag:s10] =	ssyncadd.s32 $0xFFFFC000  }
0x11: {  	s23 =	simm.s32 $0x0;
	s19 =	simm.s32 $0x0;
	_ =	swait.ge @!p1 [sflag:s18], $0x4000  }
0x12: {  	s19 =	sand.u32 $0x70, s19;
	s20 =	sand.u32 $0x3C00, s23;
	[sflag:s18] =	ssyncset.done @!p1 $0x0  }
0x13: {  	s25 =	sor.u32 s19, s20;
	[sflag:s18] =	ssyncadd.s32 @!p1 $0xFFFFC000  }
0x14: {  	v3 =	vld [tilespmem:s25+$0x280]  }
0x15: {  	v4 =	vld [tilespmem:s25+$0x300]  }
0x16: {  	v5 =	vld [tilespmem:s25+$0x200];
	_ =	sdelay $0x1  }
0x17: {  	v13 =	vld [tilespmem:s25+$0x100];
	_ =	sdelay $0x1  }
0x18: {  	v6 =	vand.u32 $0x7FFFFFFF, v3;
	v10 =	vand.u32 $0x7FFFFFFF, v4  }
0x19: {  	v8 =	vld [tilespmem:s25+$0x80];
	v11 =	vand.u32 $0x7FFFFFFF, v5;
	v7 =	vperm.xlane v6, v1;
	v9 =	vperm.xlane v10, v0  }
0x1a: {  	v12 =	vperm.xlane v10, v1;
	v14 =	vperm.xlane v11, v0  }
0x1b: {  	v19 =	vand.u32 $0x7FFFFFFF, v13;
	v15 =	vperm.xlane v10, v2;
	vm1 =	vgt.s32 v7, v6  }
0x1c: {  	v16 =	vld [tilespmem:s25+$0x180];
	vm2 =	vgt.s32 v9, v10;
	vm3 =	vgt.s32 v12, v10;
	vm4 =	vgt.s32 v14, v11  }
0x1d: {  	v7 =	vperm.xlane v6, v2;
	vm6 =	vgt.s32 v15, v10;
	v10 =	vperm.xlane v6, v0  }
0x1e: {  	v12 =	vand.u32 $0x7FFFFFFF, v8;
	v14 =	vperm.xlane v11, v1;
	v15 =	vperm.xlane v11, v2  }
0x1f: {  	vm5 =	vmand vm2, vm3;
	v17 =	vperm.xlane v12, v0;
	v18 =	vperm.xlane v12, v1  }
0x20: {  	vm2 =	vmor vm2, vm3;
	vm7 =	vgt.s32 v7, v6;
	vm8 =	vgt.s32 v10, v6  }
0x21: {  	v6 =	vperm.xlane v19, v2;
	v10 =	vand.u32 $0x7FFFFFFF, v16;
	vm9 =	vgt.s32 v14, v11  }
0x22: {  	v9 =	vld [tilespmem:s25+$0x0];
	vm6 =	vmand vm6, vm2;
	v20 =	vperm.xlane v10, v0;
	vm10 =	vmand vm4, vm9  }
0x23: {  	vm4 =	vmor vm4, vm9;
	vm3 =	vmor vm8, vm1;
	vm9 =	vgt.s32 v15, v11  }
0x24: {  	vm5 =	vmor vm5, vm6;
	vm6 =	vgt.s32 v18, v12;
	v11 =	vperm.xlane v12, v2  }
0x25: {  	vm0 =	vgt.s32 v6, v19;
	vm2 =	vmand vm7, vm3;
	vm3 =	vmand vm8, vm1  }
0x26: {  	s26 =	simm.s32 $0x10;
	s29 =	simm.s32 $0x80;
	v7 =	vsel vm5, $0x0, v4;
	v4 =	vperm.xlane v10, v1;
	vm5 =	vgt.s32 v17, v12  }
0x27: {  	s19 =	sand.u32 $0x70, s26;
	s20 =	sand.u32 $0x3C00, s29;
	v6 =	vperm.xlane v10, v2;
	vm4 =	vmand vm9, vm4;
	v14 =	vand.u32 $0x7FFFFFFF, v9  }
0x28: {  	s19 =	sor.u32 s19, s20;
	vm1 =	vmand vm5, vm6;
	vm4 =	vmor vm10, vm4;
	vm5 =	vmor vm5, vm6  }
0x29: {  	v15 =	vld [tilespmem:s19+$0x280];
	vm2 =	vmor vm3, vm2;
	vm7 =	vgt.s32 v4, v10;
	vm8 =	vgt.s32 v6, v10  }
0x2a: {  	v17 =	vsel vm4, $0x0, v5;
	vm4 =	vgt.s32 v20, v10;
	v4 =	vld [tilespmem:s19+$0x300];
	v5 =	vperm.xlane v19, v0  }
0x2b: {  	v6 =	vperm.xlane v14, v0;
	v10 =	vld [tilespmem:s19+$0x200];
	vm9 =	vmor vm4, vm7;
	vm4 =	vmand vm4, vm7  }
0x2c: {  	vm7 =	vmand vm8, vm9;
	vm8 =	vgt.s32 v11, v12;
	vm9 =	vgt.s32 v5, v19  }
0x2d: {  	v5 =	vperm.xlane v19, v1;
	v11 =	vperm.xlane v14, v2;
	vm4 =	vmor vm4, vm7  }
0x2e: {  	v12 =	vsel vm4, $0x0, v16;
	v16 =	vand.u32 $0x7FFFFFFF, v15;
	vm4 =	vmand vm8, vm5  }
0x2f: {  	vm5 =	vgt.s32 v5, v19;
	v18 =	vperm.xlane v16, v1;
	v20 =	vand.u32 $0x7FFFFFFF, v4  }
0x30: {  	v5 =	vand.u32 $0x7FFFFFFF, v10;
	vm3 =	vmor vm9, vm5;
	vm5 =	vmand vm9, vm5  }
0x31: {  	vm1 =	vmor vm1, vm4;
	v19 =	vperm.xlane v20, v0;
	v21 =	vperm.xlane v5, v0  }
0x32: {  	v24 =	vld [tilespmem:s19+$0x80];
	v22 =	vperm.xlane v20, v2;
	vm8 =	vmand vm0, vm3;
	v23 =	vperm.xlane v20, v1  }
0x33: {  	vm0 =	vgt.s32 v11, v14;
	v11 =	vperm.xlane v16, v2;
	v25 =	vperm.xlane v5, v2  }
0x34: {  	vm3 =	vgt.s32 v18, v16;
	vm5 =	vmor vm5, vm8;
	vm6 =	vgt.s32 v21, v5  }
0x35: {  	vm7 =	vgt.s32 v19, v20;
	vm9 =	vgt.s32 v23, v20;
	v13 =	vsel vm5, $0x0, v13  }
0x36: {  	vm10 =	vgt.s32 v22, v20;
	v20 =	vperm.xlane v16, v0;
	v21 =	vsel vm1, $0x0, v8  }
0x37: {  	v22 =	vsel vm2, $0x0, v3;
	v8 =	vand.u32 $0x7FFFFFFF, v24;
	vm2 =	vgt.s32 v6, v14  }
0x38: {  	v18 =	vld [tilespmem:s19+$0x100];
	v6 =	vperm.xlane v14, v1;
	v23 =	vperm.xlane v5, v1;
	vm11 =	vgt.s32 v11, v16  }
0x39: {  	vm8 =	vmand vm7, vm9;
	v11 =	vperm.xlane v8, v0;
	v26 =	vperm.xlane v8, v1  }
0x3a: {  	v19 =	vld [tilespmem:s19+$0x180];
	vm5 =	vgt.s32 v6, v14;
	vm12 =	vgt.s32 v20, v16;
	vm13 =	vgt.s32 v23, v5  }
0x3b: {  	v3 =	vld [tilespmem:s19+$0x0];
	v23 =	vperm.xlane v8, v2;
	vm1 =	vmand vm2, vm5;
	vm14 =	vmand vm6, vm13  }
0x3c: {  	vm13 =	vmor vm6, vm13;
	vm6 =	vmor vm7, vm9;
	vm9 =	vgt.s32 v25, v5  }
0x3d: {  	vm7 =	vmor vm12, vm3;
	vm5 =	vmor vm2, vm5;
	v27 =	vand.u32 $0x7FFFFFFF, v18  }
0x3e: {  	vm10 =	vmand vm10, vm6;
	vm6 =	vmand vm11, vm7;
	vm7 =	vmand vm12, vm3  }
0x3f: {  	vm9 =	vmand vm9, vm13;
	v6 =	vperm.xlane v27, v2;
	v14 =	vand.u32 $0x7FFFFFFF, v19  }
0x40: {  	v16 =	vand.u32 $0x7FFFFFFF, v3;
	vm8 =	vmor vm8, vm10;
	vm10 =	vgt.s32 v26, v8  }
0x41: {  	s21 =	simm.s32 $0x20;
	s22 =	simm.s32 $0x100;
	vm9 =	vmor vm14, vm9;
	vm2 =	vmor vm7, vm6;
	vm7 =	vmand vm0, vm5  }
0x42: {  	s30 =	sand.u32 $0x70, s21;
	s24 =	sand.u32 $0x3C00, s22;
	v20 =	vperm.xlane v14, v0;
	v5 =	vsel vm8, $0x0, v4;
	v4 =	vperm.xlane v14, v1  }
0x43: {  	s20 =	sor.u32 s30, s24;
	vm8 =	vgt.s32 v11, v8;
	vm1 =	vmor vm1, vm7;
	v15 =	vsel vm2, $0x0, v15  }
0x44: {  	v25 =	vld [tilespmem:s20+$0x300];
	vm4 =	vgt.s32 v6, v27;
	v6 =	vperm.xlane v14, v2;
	vm3 =	vmand vm8, vm10  }
0x45: {  	[tilespmem:s25+$0x8200] =	vst v17;
	vm8 =	vmor vm8, vm10;
	v17 =	vsel vm1, $0x0, v9;
	vm11 =	vgt.s32 v4, v14  }
0x46: {  	vm13 =	vgt.s32 v20, v14;
	v20 =	vperm.xlane v16, v0;
	vm12 =	vgt.s32 v6, v14  }
0x47: {  	v4 =	vld [tilespmem:s20+$0x280];
	v6 =	vsel vm9, $0x0, v10;
	v10 =	vperm.xlane v27, v0;
	vm9 =	vmor vm13, vm11  }
0x48: {  	v11 =	vld [tilespmem:s20+$0x200];
	vm11 =	vmand vm13, vm11;
	v14 =	vperm.xlane v16, v2;
	vm9 =	vmand vm12, vm9  }
0x49: {  	vm12 =	vgt.s32 v23, v8;
	v23 =	vand.u32 $0x7FFFFFFF, v25;
	vm2 =	vgt.s32 v20, v16  }
0x4a: {  	vm13 =	vgt.s32 v10, v27;
	vm9 =	vmor vm11, vm9;
	v10 =	vperm.xlane v27, v1  }
0x4b: {  	vm10 =	vmand vm12, vm8;
	v29 =	vperm.xlane v23, v2;
	v8 =	vsel vm9, $0x0, v19  }
0x4c: {  	vm3 =	vmor vm3, vm10;
	v26 =	vand.u32 $0x7FFFFFFF, v4;
	vm0 =	vgt.s32 v10, v27  }
0x4d: {  	v27 =	vand.u32 $0x7FFFFFFF, v11;
	v10 =	vperm.xlane v23, v0;
	v19 =	vperm.xlane v26, v1  }
0x4e: {  	vm5 =	vmor vm13, vm0;
	v28 =	vperm.xlane v27, v0;
	vm11 =	vmand vm13, vm0  }
0x4f: {  	vm0 =	vgt.s32 v14, v16;
	v14 =	vimm.s32 $0x0;
	v60 =	vperm.xlane v26, v2  }
0x50: {  	[tilespmem:s25+$0x8300] =	vst v7;
	vm13 =	vgt.s32 v29, v23;
	v20 =	vperm.xlane v27, v1;
	v14 =	vsel vm0, $0xFFFFFFFF, v14  }
0x51: {  	v7 =	vld [tilespmem:s20+$0x80];
	v61 =	vperm.xlane v27, v2;
	vm4 =	vmand vm4, vm5;
	vm8 =	vgt.s32 v10, v23;
	[tilespmem:$0x1FFF0] =	vst v14  }
0x52: {  	vm6 =	vgt.s32 v19, v26;
	v19 =	vperm.xlane v23, v1;
	vm5 =	vgt.s32 v28, v27;
	[tilespmem:s25+$0x8180] =	vst v12  }
0x53: {  	s23 =	sand.u32 $0x7, s23;
	vm4 =	vmor vm11, vm4;
	v14 =	vsel vm3, $0x0, v24;
	vm10 =	vgt.s32 v60, v26;
	[tilespmem:s25+$0x8100] =	vst v13  }
0x54: {  	s23 =	sshll.u32 s23, $0x4;
	vm11 =	vgt.s32 v20, v27;
	vm14 =	vgt.s32 v61, v27;
	v10 =	vld [tilespmem:s20+$0x100];
	v13 =	vsel vm4, $0x0, v18;
	[tilespmem:s25+$0x8280] =	vst v22  }
0x55: {  	s23 =	sadd.s32 $0x0, s23;
	v12 =	vld [tilespmem:s20+$0x180];
	[tilespmem:s25+$0x8080] =	vst v21;
	v21 =	vperm.xlane v26, v0;
	v18 =	vperm.xlane v16, v1;
	vm12 =	vmand vm5, vm11  }
0x56: {  	s24 =	sor.u32 $0x380, s23;
	v9 =	vld [tilespmem:s20+$0x0];
	[tilespmem:s25+$0x8000] =	vst v17;
	vm11 =	vmor vm5, vm11;
	vm9 =	vgt.s32 v19, v23;
	v19 =	vand.u32 $0x7FFFFFFF, v7  }
0x57: {  	v17 =	vld [tilespmem:s24+$0x0];
	vm7 =	vmand vm8, vm9;
	v62 =	vperm.xlane v19, v0;
	v23 =	vperm.xlane v19, v1  }
0x58: {  	vm4 =	vgt.s32 v18, v16;
	vm15 =	vgt.s32 v21, v26;
	vm5 =	vmor vm8, vm9  }
0x59: {  	vm1 =	vmand vm2, vm4;
	vm8 =	vmor vm15, vm6;
	vm9 =	vmand vm13, vm5  }
0x5a: {  	vm6 =	vmand vm15, vm6;
	vm5 =	vmand vm10, vm8;
	v18 =	vand.u32 $0x7FFFFFFF, v10  }
0x5b: {  	vm7 =	vmor vm7, vm9;
	vm13 =	vgt.s32 v62, v19;
	v21 =	vperm.xlane v18, v2  }
0x5c: {  	s28 =	simm.s32 $0x2;
	v22 =	vand.u32 $0x7FFFFFFF, v12;
	v16 =	vand.u32 $0x7FFFFFFF, v9;
	v26 =	vand.u32 $0x7FFFFFFF, v17  }
0x5d: {  	s31 =	simm.s32 $0x1;
	s26 =	sand.u32 $0x7, s28;
	v63 =	vperm.xlane v26, v1;
	vm3 =	vgt.s32 v21, v18;
	v21 =	vperm.xlane v26, v0  }
0x5e: {  	s30 =	sshll.u32 s26, $0x4;
	s23 =	sand.u32 $0x7, s31;
	s25 =	sshll.u32 s17, $0x2;
	v20 =	vsel vm7, $0x0, v25;
	v24 =	vperm.xlane v22, v0;
	v27 =	vperm.xlane v26, v2  }
0x5f: {  	s18 =	sshll.u32 s17, $0x1;
	s29 =	sshll.u32 s23, $0x4;
	s25 =	sand.u32 $0x78, s25;
	v25 =	vperm.xlane v22, v2;
	vm10 =	vgt.s32 v63, v26;
	vm7 =	vgt.s32 v21, v26  }
0x60: {  	s26 =	sadd.s32 $0x80, s29;
	s23 =	sor.u32 s4, s25;
	s25 =	sadd.s32 $0x100, s30;
	vm8 =	vgt.s32 v27, v26;
	v21 =	vperm.xlane v22, v1;
	vm9 =	vmand vm7, vm10  }
.LBB2_3:
0x61: {  	vm14 =	vmand vm14, vm11;
	vm7 =	vmor vm7, vm10;
	v27 =	vperm.xlane v16, v0  }
0x62: {  	s21 =	sadd.s32 $0x10, s21;
	s22 =	sadd.s32 $0x80, s22;
	vm15 =	vgt.s32 v23, v19;
	v23 =	vperm.xlane v19, v2;
	vm0 =	vgt.s32 v21, v22  }
0x63: {  	s29 =	sand.u32 $0x70, s21;
	s30 =	sand.u32 $0x3C00, s22;
	vm12 =	vmor vm12, vm14;
	vm14 =	vgt.s32 v25, v22;
	vm10 =	vgt.s32 v24, v22  }
0x64: {  	v29 =	vld [tilespmem:$0x1FFF0];
	vm7 =	vmand vm8, vm7;
	v22 =	vperm.xlane v18, v0;
	vm11 =	vmand vm13, vm15;
	s29 =	sor.u32 s29, s30  }
0x65: {  	v25 =	vsel vm12, $0x0, v11;
	vm8 =	vmor vm10, vm0;
	vm7 =	vmor vm9, vm7;
	v26 =	vld [tilespmem:s29+$0x280]  }
0x66: {  	vm0 =	vmand vm10, vm0;
	v21 =	vld [tilespmem:s29+$0x300];
	vm8 =	vmand vm14, vm8;
	v17 =	vsel vm7, $0x0, v17  }
0x67: {  	v24 =	vld [tilespmem:s29+$0x100];
	vm9 =	vgt.s32 v23, v19;
	vm7 =	vgt.s32 v22, v18;
	v19 =	vperm.xlane v18, v1  }
0x68: {  	v11 =	vld [tilespmem:s29+$0x200];
	v23 =	vperm.xlane v16, v2;
	vm0 =	vmor vm0, vm8;
	[tilespmem:s24+$0x8000] =	vst v17;
	vm8 =	vmor vm13, vm15  }
0x69: {  	v17 =	vld [tilespmem:s29+$0x80];
	v22 =	vsel vm0, $0x0, v12;
	vm0 =	vmor vm2, vm4;
	vm4 =	vnez.u8 v29  }
0x6a: {  	v12 =	vld [tilespmem:s29+$0x180];
	vm12 =	vmand vm9, vm8;
	vm2 =	vmor vm6, vm5;
	vm0 =	vmand vm4, vm0  }
0x6b: {  	v61 =	vld [tilespmem:s29+$0x0];
	[tilespmem:s19+$0x8280] =	vst v15;
	vm4 =	vgt.s32 v19, v18;
	v15 =	vsel vm2, $0x0, v4;
	vm2 =	vgt.s32 v27, v16  }
0x6c: {  	[tilespmem:s19+$0x8180] =	vst v8;
	v8 =	vmovc v22;
	v22 =	vperm.xlane v16, v1;
	vm5 =	vmor vm7, vm4;
	vm4 =	vmand vm7, vm4  }
0x6d: {  	vm7 =	vgt.s32 v23, v16;
	vm0 =	vmor vm1, vm0;
	v28 =	vand.u32 $0x7FFFFFFF, v26  }
0x6e: {  	v31 =	vand.u32 $0x7FFFFFFF, v21;
	v32 =	vand.u32 $0x7FFFFFFF, v11;
	v30 =	vperm.xlane v28, v1  }
0x6f: {  	[tilespmem:s19+$0x8300] =	vst v5;
	vm3 =	vmand vm3, vm5;
	v18 =	vperm.xlane v31, v0;
	v19 =	vperm.xlane v32, v0  }
0x70: {  	v5 =	vmovc v20;
	[tilespmem:s19+$0x8200] =	vst v6;
	v33 =	vperm.xlane v31, v2;
	v20 =	vperm.xlane v31, v1;
	vm1 =	vmor vm4, vm3  }
0x71: {  	v6 =	vmovc v25;
	[tilespmem:s19+$0x8100] =	vst v13;
	v25 =	vperm.xlane v32, v2;
	vm4 =	vgt.s32 v22, v16;
	v13 =	vsel vm1, $0x0, v10  }
0x72: {  	v10 =	vmovc v24;
	vm1 =	vmor vm11, vm12;
	v24 =	vperm.xlane v32, v1;
	v22 =	vand.u32 $0x7FFFFFFF, v12  }
0x73: {  	vm6 =	vgt.s32 v30, v28;
	vm5 =	vgt.s32 v19, v32;
	v19 =	vimm.s32 $0x0  }
0x74: {  	vm8 =	vgt.s32 v18, v31;
	vm9 =	vgt.s32 v20, v31;
	v18 =	vperm.xlane v28, v2  }
0x75: {  	[tilespmem:s19+$0x8080] =	vst v14;
	vm10 =	vgt.s32 v33, v31;
	v20 =	vperm.xlane v28, v0;
	v19 =	vsel vm7, $0xFFFFFFFF, v19  }
0x76: {  	v14 =	vsel vm1, $0x0, v7;
	vm1 =	vmand vm2, vm4;
	[tilespmem:$0x1FFF0] =	vst v19;
	v19 =	vsel vm0, $0x0, v3  }
0x77: {  	s24 =	sor.u32 $0x380, s26;
	vm14 =	vgt.s32 v25, v32;
	vm7 =	vmand vm8, vm9;
	vm11 =	vgt.s32 v24, v32;
	[tilespmem:s19+$0x8000] =	vst v19  }
0x78: {  	v7 =	vmovc v17;
	v24 =	vperm.xlane v22, v0;
	vm0 =	vgt.s32 v18, v28;
	v18 =	vand.u32 $0x7FFFFFFF, v10;
	v17 =	vld [tilespmem:s24+$0x0]  }
0x79: {  	vm13 =	vgt.s32 v20, v28;
	vm12 =	vmand vm5, vm11;
	vm11 =	vmor vm5, vm11  }
0x7a: {  	v3 =	vmovc v9;
	v9 =	vmovc v61;
	vm5 =	vmor vm8, vm9;
	v19 =	vand.u32 $0x7FFFFFFF, v7;
	v20 =	vperm.xlane v18, v2  }
0x7b: {  	v16 =	vand.u32 $0x7FFFFFFF, v9;
	vm8 =	vmor vm13, vm6;
	vm9 =	vmand vm10, vm5  }
0x7c: {  	p0 =	slt.u32 s21, $0x7F0;
	v4 =	vmovc v26;
	vm6 =	vmand vm13, vm6;
	v26 =	vperm.xlane v19, v0;
	v23 =	vperm.xlane v19, v1  }
.Ltmp0:
0x7d: {  	s28 =	sadd.s32 $0x1, s28;
	vm5 =	vmand vm0, vm8;
	vm0 =	vmor vm7, vm9;
	v27 =	vand.u32 $0x7FFFFFFF, v17;
	(pc) =	sbr.rel @p0 .LBB2_3-.Ltmp0, $4  }
0x7e: {  	s31 =	sand.u32 $0x7, s28;
	vm3 =	vgt.s32 v20, v18;
	v25 =	vperm.xlane v27, v0;
	v63 =	vperm.xlane v27, v1  }
0x7f: {  	s31 =	sshll.u32 s31, $0x4;
	v20 =	vsel vm0, $0x0, v21;
	v21 =	vperm.xlane v22, v1;
	v62 =	vperm.xlane v27, v2  }
0x80: {  	s30 =	sadd.s32 s31, s22;
	s26 =	smov.u32 s25;
	vm13 =	vgt.s32 v26, v19;
	vm7 =	vgt.s32 v25, v27;
	vm10 =	vgt.s32 v63, v27  }
0x81: {  	s25 =	smov.u32 s30;
	s19 =	smov.u32 s20;
	s20 =	smov.u32 s29;
	vm8 =	vgt.s32 v62, v27;
	v25 =	vperm.xlane v22, v2;
	vm9 =	vmand vm7, vm10  }
0x82: {  	[tilespmem:s19+$0x8300] =	vst v5  }
0x83: {  	[tilespmem:s19+$0x8200] =	vst v6  }
0x84: {  	vm0 =	vmand vm14, vm11;
	[tilespmem:s19+$0x8180] =	vst v8  }
0x85: {  	vm11 =	vgt.s32 v21, v22;
	vm14 =	vgt.s32 v24, v22;
	v21 =	vperm.xlane v19, v2;
	v8 =	vld [tilespmem:$0x1FFF0]  }
0x86: {  	v5 =	vperm.xlane v16, v0;
	vm2 =	vmor vm2, vm4;
	v6 =	vperm.xlane v18, v1  }
0x87: {  	vm0 =	vmor vm12, vm0;
	vm12 =	vgt.s32 v25, v22;
	vm15 =	vmor vm14, vm11  }
0x88: {  	v11 =	vsel vm0, $0x0, v11;
	vm0 =	vmand vm14, vm11;
	vm11 =	vmand vm12, vm15  }
0x89: {  	v22 =	vperm.xlane v18, v0;
	vm12 =	vgt.s32 v23, v19;
	vm0 =	vmor vm0, vm11  }
0x8a: {  	vm11 =	vmand vm13, vm12;
	vm12 =	vmor vm13, vm12;
	vm14 =	vnez.u8 v8  }
0x8b: {  	[tilespmem:s19+$0x8100] =	vst v13;
	vm13 =	vgt.s32 v21, v19;
	vm4 =	vgt.s32 v22, v18;
	vm2 =	vmand vm14, vm2  }
0x8c: {  	[tilespmem:s19+$0x8280] =	vst v15;
	v8 =	vsel vm0, $0x0, v12;
	v12 =	vperm.xlane v16, v2;
	vm0 =	vmor vm1, vm2  }
0x8d: {  	[tilespmem:s19+$0x8080] =	vst v14;
	vm1 =	vmand vm13, vm12;
	vm2 =	vgt.s32 v6, v18;
	v3 =	vsel vm0, $0x0, v3  }
0x8e: {  	vm0 =	vmor vm6, vm5;
	vm5 =	vmor vm4, vm2;
	[tilespmem:s19+$0x8000] =	vst v3;
	v3 =	vperm.xlane v16, v1  }
0x8f: {  	[tilespmem:s20+$0x8300] =	vst v20;
	vm2 =	vmand vm4, vm2;
	vm4 =	vgt.s32 v12, v16;
	vm3 =	vmand vm3, vm5  }
0x90: {  	[tilespmem:s20+$0x8200] =	vst v11;
	vm2 =	vmor vm2, vm3;
	vm3 =	vgt.s32 v5, v16;
	vm5 =	vgt.s32 v3, v16  }
0x91: {  	[tilespmem:s20+$0x8180] =	vst v8;
	v4 =	vsel vm0, $0x0, v4;
	v3 =	vsel vm2, $0x0, v10;
	vm2 =	vmor vm3, vm5  }
0x92: {  	s31 =	sor.u32 $0x380, s26;
	vm1 =	vmor vm11, vm1;
	[tilespmem:s20+$0x8280] =	vst v4;
	vm0 =	vmand vm3, vm5;
	vm2 =	vmand vm4, vm2  }
0x93: {  	v5 =	vld [tilespmem:s31+$0x0];
	[tilespmem:s20+$0x8100] =	vst v3;
	v3 =	vsel vm1, $0x0, v7;
	vm0 =	vmor vm0, vm2  }
0x94: {  	[tilespmem:s20+$0x8080] =	vst v3;
	v4 =	vsel vm0, $0x0, v9  }
0x95: {  	s2 =	sor.u32 $0x380, s25;
	[tilespmem:s20+$0x8000] =	vst v4  }
0x96: {  	v3 =	vld [tilespmem:s2+$0x0];
	_ =	sdelay $0x1  }
0x97: {  	vm0 =	vmor vm7, vm10;
	v4 =	vand.u32 $0x7FFFFFFF, v5  }
0x98: {  	vm0 =	vmand vm8, vm0;
	v6 =	vperm.xlane v4, v0  }
0x99: {  	vm0 =	vmor vm9, vm0;
	v8 =	vperm.xlane v4, v1;
	v9 =	vperm.xlane v4, v2  }
0x9a: {  	v7 =	vsel vm0, $0x0, v17;
	vm0 =	vgt.s32 v6, v4;
	v6 =	vand.u32 $0x7FFFFFFF, v3  }
0x9b: {  	vm1 =	vgt.s32 v8, v4;
	v8 =	vperm.xlane v6, v0;
	v10 =	vperm.xlane v6, v1  }
0x9c: {  	p0 =	seq.s32 s17, $0x1F;
	vm2 =	vgt.s32 v9, v4;
	vm3 =	vmand vm0, vm1;
	v4 =	vperm.xlane v6, v2  }
0x9d: {  	s21 =	sadd.s32 @!p0 $0x2, s18;
	vm0 =	vmor vm0, vm1;
	vm1 =	vgt.s32 v8, v6;
	vm4 =	vgt.s32 v10, v6  }
0x9e: {  	s22 =	sshll.u32 @!p0 s21, $0x1;
	vm0 =	vmand vm2, vm0;
	vm2 =	vgt.s32 v4, v6;
	vm5 =	vmor vm1, vm4  }
0x9f: {  	s21 =	sshll.u32 @!p0 s21, $0xB;
	s22 =	sand.u32 @!p0 $0xF8, s22;
	vm0 =	vmor vm3, vm0;
	vm1 =	vmand vm1, vm4;
	vm2 =	vmand vm2, vm5  }
0xa0: {  	s21 =	sand.u32 @!p0 $0x1000, s21;
	s22 =	sadd.s32 @!p0 s4, s22;
	[tilespmem:s24+$0x8000] =	vst v7;
	v4 =	vsel vm0, $0x0, v5;
	vm0 =	vmor vm1, vm2  }
0xa1: {  	s21 =	sadd.s32 @!p0 s1, s21;
	s19 =	sshll.u32 @!p0 s22, $0xA;
	[tilespmem:s31+$0x8000] =	vst v4;
	v3 =	vsel vm0, $0x0, v3  }
0xa2: {  	s22 =	sshll.u32 s17, $0xC;
	s19 =	sadd.s32 @!p0 s19, s21;
	s20 =	simm.s32 @!p0 $0x0;
	[tilespmem:s2+$0x8000] =	vst v3  }
0xa3: {  	[tilespmem:s20], [sflag:$0x1] =	stream.linear.gather @!p0 [hbm4b:s19+s20], $0x4000, $0x38;
	[tilespmem:$0x10000] =	vst v63  }
0xa4: {  	s20 =	sand.u32 $0x1000, s22  }
0xa5: {  	s19 =	sshll.u32 s23, $0xA;
	s24 =	sadd.s32 s3, s20  }
0xa6: {  	s21 =	sadd.s32 s19, s24  }
0xa7: {  	[hbm4b:s21+s5] =	stream.linear.scatter [tilespmem:s11], [sflag:$0x3], $0x4000, $0x38;
	[tilespmem:$0x10000] =	vst v63  }
0xa8: {  	_ =	swait.ge [sflag:s12], $0x4000  }
0xa9: {  	[sflag:s12] =	ssyncset.done $0x0  }
0xaa: {  	s21 =	simm.s32 @!p1 $0x4;
	[sflag:s12] =	ssyncadd.s32 $0xFFFFC000  }
0xab: {  	s25 =	simm.s32 $0x0;
	s30 =	simm.s32 $0x0;
	_ =	swait.ge @!p1 [sflag:s21], $0x4000  }
0xac: {  	s31 =	sand.u32 $0x3C00, s25;
	s22 =	sand.u32 $0x70, s30;
	[sflag:s21] =	ssyncset.done @!p1 $0x0  }
0xad: {  	s2 =	sor.u32 s22, s31;
	[sflag:s21] =	ssyncadd.s32 @!p1 $0xFFFFC000  }
0xae: {  	v3 =	vld [tilespmem:s2+$0x4280]  }
0xaf: {  	v4 =	vld [tilespmem:s2+$0x4300]  }
0xb0: {  	v5 =	vld [tilespmem:s2+$0x4200];
	_ =	sdelay $0x1  }
0xb1: {  	v13 =	vld [tilespmem:s2+$0x4100];
	_ =	sdelay $0x1  }
0xb2: {  	v6 =	vand.u32 $0x7FFFFFFF, v3;
	v10 =	vand.u32 $0x7FFFFFFF, v4  }
0xb3: {  	v8 =	vld [tilespmem:s2+$0x4080];
	v11 =	vand.u32 $0x7FFFFFFF, v5;
	v7 =	vperm.xlane v6, v1;
	v9 =	vperm.xlane v10, v0  }
0xb4: {  	v12 =	vperm.xlane v10, v1;
	v14 =	vperm.xlane v11, v0  }
0xb5: {  	v19 =	vand.u32 $0x7FFFFFFF, v13;
	v15 =	vperm.xlane v10, v2;
	vm1 =	vgt.s32 v7, v6  }
0xb6: {  	v16 =	vld [tilespmem:s2+$0x4180];
	vm2 =	vgt.s32 v9, v10;
	vm3 =	vgt.s32 v12, v10;
	vm4 =	vgt.s32 v14, v11  }
0xb7: {  	v7 =	vperm.xlane v6, v2;
	vm6 =	vgt.s32 v15, v10;
	v10 =	vperm.xlane v6, v0  }
0xb8: {  	v12 =	vand.u32 $0x7FFFFFFF, v8;
	v14 =	vperm.xlane v11, v1;
	v15 =	vperm.xlane v11, v2  }
0xb9: {  	vm5 =	vmand vm2, vm3;
	v17 =	vperm.xlane v12, v0;
	v18 =	vperm.xlane v12, v1  }
0xba: {  	vm2 =	vmor vm2, vm3;
	vm7 =	vgt.s32 v7, v6;
	vm8 =	vgt.s32 v10, v6  }
0xbb: {  	v6 =	vperm.xlane v19, v2;
	v10 =	vand.u32 $0x7FFFFFFF, v16;
	vm9 =	vgt.s32 v14, v11  }
0xbc: {  	v9 =	vld [tilespmem:s2+$0x4000];
	vm6 =	vmand vm6, vm2;
	v20 =	vperm.xlane v10, v0;
	vm10 =	vmand vm4, vm9  }
0xbd: {  	vm4 =	vmor vm4, vm9;
	vm3 =	vmor vm8, vm1;
	vm9 =	vgt.s32 v15, v11  }
0xbe: {  	vm5 =	vmor vm5, vm6;
	vm6 =	vgt.s32 v18, v12;
	v11 =	vperm.xlane v12, v2  }
0xbf: {  	vm0 =	vgt.s32 v6, v19;
	vm2 =	vmand vm7, vm3;
	vm3 =	vmand vm8, vm1  }
0xc0: {  	s23 =	simm.s32 $0x10;
	s24 =	simm.s32 $0x80;
	v7 =	vsel vm5, $0x0, v4;
	v4 =	vperm.xlane v10, v1;
	vm5 =	vgt.s32 v17, v12  }
0xc1: {  	s22 =	sand.u32 $0x3C00, s24;
	s21 =	sand.u32 $0x70, s23;
	v6 =	vperm.xlane v10, v2;
	vm4 =	vmand vm9, vm4;
	v14 =	vand.u32 $0x7FFFFFFF, v9  }
0xc2: {  	s21 =	sor.u32 s21, s22;
	vm1 =	vmand vm5, vm6;
	vm4 =	vmor vm10, vm4;
	vm5 =	vmor vm5, vm6  }
0xc3: {  	v15 =	vld [tilespmem:s21+$0x4280];
	vm2 =	vmor vm3, vm2;
	vm7 =	vgt.s32 v4, v10;
	vm8 =	vgt.s32 v6, v10  }
0xc4: {  	v17 =	vsel vm4, $0x0, v5;
	vm4 =	vgt.s32 v20, v10;
	v4 =	vld [tilespmem:s21+$0x4300];
	v5 =	vperm.xlane v19, v0  }
0xc5: {  	v6 =	vperm.xlane v14, v0;
	v10 =	vld [tilespmem:s21+$0x4200];
	vm9 =	vmor vm4, vm7;
	vm4 =	vmand vm4, vm7  }
0xc6: {  	vm7 =	vmand vm8, vm9;
	vm8 =	vgt.s32 v11, v12;
	vm9 =	vgt.s32 v5, v19  }
0xc7: {  	v5 =	vperm.xlane v19, v1;
	v11 =	vperm.xlane v14, v2;
	vm4 =	vmor vm4, vm7  }
0xc8: {  	v12 =	vsel vm4, $0x0, v16;
	v16 =	vand.u32 $0x7FFFFFFF, v15;
	vm4 =	vmand vm8, vm5  }
0xc9: {  	vm5 =	vgt.s32 v5, v19;
	v18 =	vperm.xlane v16, v1;
	v20 =	vand.u32 $0x7FFFFFFF, v4  }
0xca: {  	v5 =	vand.u32 $0x7FFFFFFF, v10;
	vm3 =	vmor vm9, vm5;
	vm5 =	vmand vm9, vm5  }
0xcb: {  	vm1 =	vmor vm1, vm4;
	v19 =	vperm.xlane v20, v0;
	v21 =	vperm.xlane v5, v0  }
0xcc: {  	v24 =	vld [tilespmem:s21+$0x4080];
	v22 =	vperm.xlane v20, v2;
	vm8 =	vmand vm0, vm3;
	v23 =	vperm.xlane v20, v1  }
0xcd: {  	vm0 =	vgt.s32 v11, v14;
	v11 =	vperm.xlane v16, v2;
	v25 =	vperm.xlane v5, v2  }
0xce: {  	vm3 =	vgt.s32 v18, v16;
	vm5 =	vmor vm5, vm8;
	vm6 =	vgt.s32 v21, v5  }
0xcf: {  	vm7 =	vgt.s32 v19, v20;
	vm9 =	vgt.s32 v23, v20;
	v13 =	vsel vm5, $0x0, v13  }
0xd0: {  	vm10 =	vgt.s32 v22, v20;
	v20 =	vperm.xlane v16, v0;
	v21 =	vsel vm1, $0x0, v8  }
0xd1: {  	v22 =	vsel vm2, $0x0, v3;
	v8 =	vand.u32 $0x7FFFFFFF, v24;
	vm2 =	vgt.s32 v6, v14  }
0xd2: {  	v18 =	vld [tilespmem:s21+$0x4100];
	v6 =	vperm.xlane v14, v1;
	v23 =	vperm.xlane v5, v1;
	vm11 =	vgt.s32 v11, v16  }
0xd3: {  	vm8 =	vmand vm7, vm9;
	v11 =	vperm.xlane v8, v0;
	v26 =	vperm.xlane v8, v1  }
0xd4: {  	v19 =	vld [tilespmem:s21+$0x4180];
	vm5 =	vgt.s32 v6, v14;
	vm12 =	vgt.s32 v20, v16;
	vm13 =	vgt.s32 v23, v5  }
0xd5: {  	v3 =	vld [tilespmem:s21+$0x4000];
	v23 =	vperm.xlane v8, v2;
	vm1 =	vmand vm2, vm5;
	vm14 =	vmand vm6, vm13  }
0xd6: {  	vm13 =	vmor vm6, vm13;
	vm6 =	vmor vm7, vm9;
	vm9 =	vgt.s32 v25, v5  }
0xd7: {  	vm7 =	vmor vm12, vm3;
	vm5 =	vmor vm2, vm5;
	v27 =	vand.u32 $0x7FFFFFFF, v18  }
0xd8: {  	vm10 =	vmand vm10, vm6;
	vm6 =	vmand vm11, vm7;
	vm7 =	vmand vm12, vm3  }
0xd9: {  	vm9 =	vmand vm9, vm13;
	v6 =	vperm.xlane v27, v2;
	v14 =	vand.u32 $0x7FFFFFFF, v19  }
0xda: {  	v20 =	vand.u32 $0x7FFFFFFF, v3;
	vm8 =	vmor vm8, vm10;
	vm10 =	vgt.s32 v26, v8  }
0xdb: {  	vm9 =	vmor vm14, vm9;
	vm2 =	vmor vm7, vm6;
	vm7 =	vmand vm0, vm5  }
0xdc: {  	s24 =	simm.s32 $0x100;
	s23 =	simm.s32 $0x20;
	v16 =	vperm.xlane v14, v0;
	v5 =	vsel vm8, $0x0, v4;
	v4 =	vperm.xlane v14, v1  }
0xdd: {  	s28 =	sand.u32 $0x3C00, s24;
	s30 =	sand.u32 $0x70, s23;
	vm8 =	vgt.s32 v11, v8;
	v25 =	vperm.xlane v20, v0;
	vm1 =	vmor vm1, vm7  }
0xde: {  	s22 =	sor.u32 s30, s28;
	vm4 =	vgt.s32 v6, v27;
	v6 =	vperm.xlane v14, v2;
	vm3 =	vmand vm8, vm10  }
0xdf: {  	[tilespmem:s2+$0xC200] =	vst v17;
	v26 =	vld [tilespmem:s22+$0x4300];
	vm8 =	vmor vm8, vm10;
	v17 =	vsel vm1, $0x0, v9;
	vm11 =	vgt.s32 v4, v14  }
0xe0: {  	vm13 =	vgt.s32 v16, v14;
	v4 =	vld [tilespmem:s22+$0x4280];
	vm12 =	vgt.s32 v6, v14;
	v6 =	vsel vm9, $0x0, v10  }
0xe1: {  	v11 =	vld [tilespmem:s22+$0x4200];
	v10 =	vperm.xlane v27, v0;
	vm9 =	vmor vm13, vm11;
	vm11 =	vmand vm13, vm11  }
0xe2: {  	v14 =	vperm.xlane v20, v2;
	vm9 =	vmand vm12, vm9;
	vm12 =	vgt.s32 v23, v8  }
0xe3: {  	vm13 =	vgt.s32 v10, v27;
	vm9 =	vmor vm11, vm9;
	v10 =	vperm.xlane v27, v1  }
0xe4: {  	vm10 =	vmand vm12, vm8;
	v8 =	vsel vm9, $0x0, v19;
	v19 =	vand.u32 $0x7FFFFFFF, v26  }
0xe5: {  	vm3 =	vmor vm3, vm10;
	v28 =	vand.u32 $0x7FFFFFFF, v4;
	vm0 =	vgt.s32 v10, v27  }
0xe6: {  	v27 =	vand.u32 $0x7FFFFFFF, v11;
	v10 =	vperm.xlane v19, v0;
	vm5 =	vmor vm13, vm0  }
0xe7: {  	vm11 =	vmand vm13, vm0;
	vm0 =	vgt.s32 v14, v20;
	v14 =	vimm.s32 $0x0  }
0xe8: {  	[tilespmem:s2+$0xC300] =	vst v7;
	v7 =	vld [tilespmem:s22+$0x4080];
	v29 =	vperm.xlane v19, v2;
	v16 =	vperm.xlane v28, v1;
	v14 =	vsel vm0, $0xFFFFFFFF, v14  }
0xe9: {  	v23 =	vperm.xlane v27, v0;
	vm4 =	vmand vm4, vm5;
	vm8 =	vgt.s32 v10, v19;
	[tilespmem:$0x1FFE0] =	vst v14  }
0xea: {  	vm13 =	vgt.s32 v29, v19;
	vm6 =	vgt.s32 v16, v28;
	v16 =	vperm.xlane v19, v1;
	[tilespmem:s2+$0xC180] =	vst v12  }
0xeb: {  	vm5 =	vgt.s32 v23, v27;
	vm4 =	vmor vm11, vm4;
	v23 =	vperm.xlane v28, v2;
	[tilespmem:s2+$0xC100] =	vst v13  }
0xec: {  	v12 =	vsel vm4, $0x0, v18;
	[tilespmem:s2+$0xC080] =	vst v21;
	v21 =	vperm.xlane v28, v0;
	v13 =	vsel vm3, $0x0, v24  }
0xed: {  	s26 =	sand.u32 $0x7, s25;
	v18 =	vand.u32 $0x7FFFFFFF, v7;
	v24 =	vperm.xlane v27, v1;
	vm9 =	vgt.s32 v16, v19  }
0xee: {  	s26 =	sshll.u32 s26, $0x4;
	v10 =	vld [tilespmem:s22+$0x4100];
	v16 =	vsel vm2, $0x0, v15;
	vm2 =	vgt.s32 v25, v20;
	v15 =	vperm.xlane v20, v1  }
0xef: {  	s26 =	sadd.s32 $0x0, s26;
	[tilespmem:s2+$0xC280] =	vst v22;
	v14 =	vld [tilespmem:s22+$0x4180];
	v25 =	vperm.xlane v27, v2;
	vm10 =	vgt.s32 v23, v28;
	v62 =	vperm.xlane v18, v0  }
0xf0: {  	s25 =	sor.u32 $0x380, s26;
	v9 =	vld [tilespmem:s22+$0x4000];
	[tilespmem:s2+$0xC000] =	vst v17;
	v23 =	vperm.xlane v18, v1;
	vm7 =	vmand vm8, vm9;
	vm11 =	vgt.s32 v24, v27  }
0xf1: {  	v17 =	vld [tilespmem:s25+$0x4000];
	vm15 =	vgt.s32 v21, v28;
	vm4 =	vgt.s32 v15, v20;
	vm12 =	vmand vm5, vm11  }
0xf2: {  	vm11 =	vmor vm5, vm11;
	vm14 =	vgt.s32 v25, v27;
	vm5 =	vmor vm8, vm9  }
0xf3: {  	vm8 =	vmor vm15, vm6;
	vm6 =	vmand vm15, vm6;
	vm1 =	vmand vm2, vm4  }
0xf4: {  	vm9 =	vmand vm13, vm5;
	vm5 =	vmand vm10, vm8;
	vm13 =	vgt.s32 v62, v18  }
0xf5: {  	v19 =	vand.u32 $0x7FFFFFFF, v10;
	v22 =	vand.u32 $0x7FFFFFFF, v14;
	v15 =	vand.u32 $0x7FFFFFFF, v9  }
0xf6: {  	v20 =	vperm.xlane v19, v2;
	v24 =	vperm.xlane v22, v0;
	v63 =	vand.u32 $0x7FFFFFFF, v17  }
0xf7: {  	s29 =	simm.s32 $0x2;
	s31 =	simm.s32 $0x1;
	vm7 =	vmor vm7, vm9;
	v21 =	vperm.xlane v63, v0;
	v27 =	vperm.xlane v63, v1  }
0xf8: {  	s26 =	sand.u32 $0x7, s31;
	s28 =	sand.u32 $0x7, s29;
	v25 =	vperm.xlane v63, v2;
	vm3 =	vgt.s32 v20, v19;
	v20 =	vsel vm7, $0x0, v26  }
0xf9: {  	s26 =	sshll.u32 s26, $0x4;
	s30 =	sshll.u32 s28, $0x4;
	vm7 =	vgt.s32 v21, v63;
	v21 =	vperm.xlane v22, v1;
	vm10 =	vgt.s32 v27, v63  }
0xfa: {  	s28 =	sadd.s32 $0x80, s26;
	s26 =	sadd.s32 $0x100, s30;
	vm8 =	vgt.s32 v25, v63;
	v25 =	vperm.xlane v22, v2;
	vm9 =	vmand vm7, vm10  }
.LBB2_5:
0xfb: {  	vm14 =	vmand vm14, vm11;
	vm7 =	vmor vm7, vm10;
	v27 =	vperm.xlane v15, v0  }
0xfc: {  	s23 =	sadd.s32 $0x10, s23;
	s24 =	sadd.s32 $0x80, s24;
	vm15 =	vgt.s32 v23, v18;
	v23 =	vperm.xlane v18, v2;
	vm0 =	vgt.s32 v21, v22  }
0xfd: {  	s30 =	sand.u32 $0x70, s23;
	s31 =	sand.u32 $0x3C00, s24;
	vm12 =	vmor vm12, vm14;
	vm14 =	vgt.s32 v25, v22;
	vm10 =	vgt.s32 v24, v22  }
0xfe: {  	v29 =	vld [tilespmem:$0x1FFE0];
	vm7 =	vmand vm8, vm7;
	v22 =	vperm.xlane v19, v0;
	vm11 =	vmand vm13, vm15;
	s30 =	sor.u32 s30, s31  }
0xff: {  	v25 =	vsel vm12, $0x0, v11;
	vm8 =	vmor vm10, vm0;
	vm7 =	vmor vm9, vm7;
	v26 =	vld [tilespmem:s30+$0x4280]  }
0x100: {  	vm0 =	vmand vm10, vm0;
	v21 =	vld [tilespmem:s30+$0x4300];
	vm8 =	vmand vm14, vm8;
	v17 =	vsel vm7, $0x0, v17  }
0x101: {  	v24 =	vld [tilespmem:s30+$0x4100];
	vm9 =	vgt.s32 v23, v18;
	vm7 =	vgt.s32 v22, v19;
	v18 =	vperm.xlane v19, v1  }
0x102: {  	v11 =	vld [tilespmem:s30+$0x4200];
	v23 =	vperm.xlane v15, v2;
	vm0 =	vmor vm0, vm8;
	[tilespmem:s25+$0xC000] =	vst v17;
	vm8 =	vmor vm13, vm15  }
0x103: {  	v17 =	vld [tilespmem:s30+$0x4080];
	v22 =	vsel vm0, $0x0, v14;
	vm0 =	vmor vm2, vm4;
	vm4 =	vnez.u8 v29  }
0x104: {  	v14 =	vld [tilespmem:s30+$0x4180];
	vm12 =	vmand vm9, vm8;
	vm2 =	vmor vm6, vm5;
	vm0 =	vmand vm4, vm0  }
0x105: {  	v61 =	vld [tilespmem:s30+$0x4000];
	[tilespmem:s21+$0xC280] =	vst v16;
	vm4 =	vgt.s32 v18, v19;
	v16 =	vsel vm2, $0x0, v4;
	vm2 =	vgt.s32 v27, v15  }
0x106: {  	[tilespmem:s21+$0xC180] =	vst v8;
	v8 =	vmovc v22;
	v22 =	vperm.xlane v15, v1;
	vm5 =	vmor vm7, vm4;
	vm4 =	vmand vm7, vm4  }
0x107: {  	vm7 =	vgt.s32 v23, v15;
	vm0 =	vmor vm1, vm0;
	v28 =	vand.u32 $0x7FFFFFFF, v26  }
0x108: {  	v31 =	vand.u32 $0x7FFFFFFF, v21;
	v32 =	vand.u32 $0x7FFFFFFF, v11;
	v30 =	vperm.xlane v28, v1  }
0x109: {  	[tilespmem:s21+$0xC300] =	vst v5;
	vm3 =	vmand vm3, vm5;
	v18 =	vperm.xlane v31, v0;
	v19 =	vperm.xlane v32, v0  }
0x10a: {  	v5 =	vmovc v20;
	[tilespmem:s21+$0xC200] =	vst v6;
	v33 =	vperm.xlane v31, v2;
	v20 =	vperm.xlane v31, v1;
	vm1 =	vmor vm4, vm3  }
0x10b: {  	v6 =	vmovc v25;
	[tilespmem:s21+$0xC100] =	vst v12;
	v25 =	vperm.xlane v32, v2;
	vm4 =	vgt.s32 v22, v15;
	v12 =	vsel vm1, $0x0, v10  }
0x10c: {  	v10 =	vmovc v24;
	vm1 =	vmor vm11, vm12;
	v24 =	vperm.xlane v32, v1;
	v22 =	vand.u32 $0x7FFFFFFF, v14  }
0x10d: {  	vm6 =	vgt.s32 v30, v28;
	vm5 =	vgt.s32 v19, v32;
	v19 =	vimm.s32 $0x0  }
0x10e: {  	vm8 =	vgt.s32 v18, v31;
	vm9 =	vgt.s32 v20, v31;
	vm10 =	vgt.s32 v33, v31  }
0x10f: {  	[tilespmem:s21+$0xC080] =	vst v13;
	v18 =	vsel vm0, $0x0, v3;
	v20 =	vperm.xlane v28, v0;
	v13 =	vsel vm1, $0x0, v7  }
0x110: {  	v7 =	vmovc v17;
	vm1 =	vmand vm2, vm4;
	vm14 =	vgt.s32 v25, v32;
	v19 =	vsel vm7, $0xFFFFFFFF, v19  }
0x111: {  	s25 =	sor.u32 $0x380, s28;
	v3 =	vmovc v9;
	v9 =	vmovc v61;
	vm7 =	vmand vm8, vm9;
	[tilespmem:s21+$0xC000] =	vst v18;
	v18 =	vand.u32 $0x7FFFFFFF, v7;
	vm11 =	vgt.s32 v24, v32  }
0x112: {  	v15 =	vand.u32 $0x7FFFFFFF, v9;
	v24 =	vperm.xlane v22, v0;
	[tilespmem:$0x1FFE0] =	vst v19;
	v19 =	vperm.xlane v28, v2;
	v17 =	vld [tilespmem:s25+$0x4000]  }
0x113: {  	v4 =	vmovc v26;
	v26 =	vperm.xlane v18, v0;
	v23 =	vperm.xlane v18, v1;
	vm13 =	vgt.s32 v20, v28  }
0x114: {  	vm12 =	vmand vm5, vm11;
	vm11 =	vmor vm5, vm11;
	vm5 =	vmor vm8, vm9  }
0x115: {  	vm8 =	vmor vm13, vm6;
	vm9 =	vmand vm10, vm5;
	vm6 =	vmand vm13, vm6  }
0x116: {  	p1 =	slt.u32 s23, $0x7F0;
	vm0 =	vgt.s32 v19, v28;
	v19 =	vand.u32 $0x7FFFFFFF, v10;
	vm13 =	vgt.s32 v26, v18  }
.Ltmp1:
0x117: {  	s29 =	sadd.s32 $0x1, s29;
	v20 =	vperm.xlane v19, v2;
	vm5 =	vmand vm0, vm8;
	v27 =	vand.u32 $0x7FFFFFFF, v17;
	(pc) =	sbr.rel @p1 .LBB2_5-.Ltmp1, $4  }
0x118: {  	s2 =	sand.u32 $0x7, s29;
	vm0 =	vmor vm7, vm9;
	v25 =	vperm.xlane v27, v0;
	v63 =	vperm.xlane v27, v1  }
0x119: {  	s2 =	sshll.u32 s2, $0x4;
	vm3 =	vgt.s32 v20, v19;
	v20 =	vsel vm0, $0x0, v21;
	v62 =	vperm.xlane v27, v2  }
0x11a: {  	s2 =	sadd.s32 s2, s24;
	s28 =	smov.u32 s26;
	v21 =	vperm.xlane v22, v1;
	vm7 =	vgt.s32 v25, v27;
	vm10 =	vgt.s32 v63, v27  }
0x11b: {  	s26 =	smov.u32 s2;
	s21 =	smov.u32 s22;
	s22 =	smov.u32 s30;
	vm8 =	vgt.s32 v62, v27;
	v25 =	vperm.xlane v22, v2;
	vm9 =	vmand vm7, vm10  }
0x11c: {  	[tilespmem:s21+$0xC300] =	vst v5  }
0x11d: {  	[tilespmem:s21+$0xC200] =	vst v6  }
0x11e: {  	vm0 =	vmand vm14, vm11;
	[tilespmem:s21+$0xC180] =	vst v8  }
0x11f: {  	vm11 =	vgt.s32 v21, v22;
	vm14 =	vgt.s32 v24, v22;
	v45 =	vperm.xlane v19, v0;
	v49 =	vld [tilespmem:$0x1FFE0]  }
0x120: {  	v46 =	vperm.xlane v19, v1;
	v47 =	vperm.xlane v18, v2;
	vm2 =	vmor vm2, vm4  }
0x121: {  	v50 =	vperm.xlane v15, v0;
	vm0 =	vmor vm12, vm0;
	vm12 =	vgt.s32 v25, v22  }
0x122: {  	vm15 =	vmor vm14, vm11;
	v11 =	vsel vm0, $0x0, v11;
	vm0 =	vmand vm14, vm11  }
0x123: {  	vm11 =	vmand vm12, vm15;
	vm12 =	vgt.s32 v23, v18;
	vm4 =	vgt.s32 v45, v19  }
0x124: {  	vm0 =	vmor vm0, vm11;
	vm11 =	vmand vm13, vm12;
	vm15 =	vnez.u8 v49  }
0x125: {  	[tilespmem:s21+$0xC100] =	vst v12;
	vm12 =	vmor vm13, vm12;
	v48 =	vsel vm0, $0x0, v14;
	vm0 =	vmand vm15, vm2  }
0x126: {  	[tilespmem:s21+$0xC280] =	vst v16;
	vm13 =	vgt.s32 v47, v18;
	vm2 =	vgt.s32 v46, v19;
	vm0 =	vmor vm1, vm0  }
0x127: {  	[tilespmem:s21+$0xC080] =	vst v13;
	vm12 =	vmand vm13, vm12;
	vm1 =	vmor vm4, vm2;
	v3 =	vsel vm0, $0x0, v3  }
0x128: {  	vm4 =	vmand vm4, vm2;
	vm1 =	vmand vm3, vm1;
	[tilespmem:s21+$0xC000] =	vst v3;
	v3 =	vperm.xlane v15, v1  }
0x129: {  	v51 =	vperm.xlane v15, v2;
	[tilespmem:s22+$0xC300] =	vst v20;
	vm14 =	vmor vm11, vm12;
	vm0 =	vmor vm4, vm1  }
0x12a: {  	[tilespmem:s22+$0xC200] =	vst v11;
	v10 =	vsel vm0, $0x0, v10;
	vm0 =	vgt.s32 v50, v15;
	vm1 =	vgt.s32 v3, v15  }
0x12b: {  	vm13 =	vgt.s32 v51, v15;
	[tilespmem:s22+$0xC180] =	vst v48;
	v52 =	vsel vm14, $0x0, v7;
	vm15 =	vmor vm0, vm1  }
0x12c: {  	s2 =	sor.u32 $0x380, s28;
	[tilespmem:s22+$0xC080] =	vst v52;
	vm2 =	vmor vm6, vm5;
	vm0 =	vmand vm0, vm1;
	vm5 =	vmand vm13, vm15  }
0x12d: {  	v53 =	vld [tilespmem:s2+$0x4000];
	v3 =	vsel vm2, $0x0, v4;
	[tilespmem:s22+$0xC100] =	vst v10;
	vm0 =	vmor vm0, vm5  }
0x12e: {  	[tilespmem:s22+$0xC280] =	vst v3;
	v3 =	vsel vm0, $0x0, v9  }
0x12f: {  	s30 =	sor.u32 $0x380, s26;
	[tilespmem:s22+$0xC000] =	vst v3  }
0x130: {  	v3 =	vld [tilespmem:s30+$0x4000];
	_ =	sdelay $0x1  }
0x131: {  	vm6 =	vmor vm7, vm10;
	v54 =	vand.u32 $0x7FFFFFFF, v53  }
0x132: {  	vm0 =	vmand vm8, vm6;
	v55 =	vperm.xlane v54, v0  }
0x133: {  	vm0 =	vmor vm9, vm0;
	v57 =	vperm.xlane v54, v1;
	v58 =	vperm.xlane v54, v2  }
0x134: {  	v56 =	vsel vm0, $0x0, v17;
	vm7 =	vgt.s32 v55, v54;
	v59 =	vand.u32 $0x7FFFFFFF, v3  }
0x135: {  	vm8 =	vgt.s32 v57, v54;
	v60 =	vperm.xlane v59, v0;
	v61 =	vperm.xlane v59, v1  }
0x136: {  	vm9 =	vgt.s32 v58, v54;
	vm10 =	vmand vm7, vm8;
	v62 =	vperm.xlane v59, v2  }
0x137: {  	s18 =	sadd.s32 @!p0 $0x3, s18;
	vm0 =	vmor vm7, vm8;
	vm11 =	vgt.s32 v60, v59;
	vm12 =	vgt.s32 v61, v59  }
0x138: {  	s22 =	sshll.u32 @!p0 s18, $0x1;
	vm0 =	vmand vm9, vm0;
	vm13 =	vgt.s32 v62, v59;
	vm14 =	vmor vm11, vm12  }
0x139: {  	s18 =	sshll.u32 @!p0 s18, $0xB;
	s22 =	sand.u32 @!p0 $0xF8, s22;
	vm0 =	vmor vm10, vm0;
	vm1 =	vmand vm11, vm12;
	vm2 =	vmand vm13, vm14  }
0x13a: {  	s18 =	sand.u32 @!p0 $0x1800, s18;
	[tilespmem:s25+$0xC000] =	vst v56;
	s22 =	sadd.s32 @!p0 s4, s22;
	v63 =	vsel vm0, $0x0, v53;
	vm15 =	vmor vm1, vm2  }
0x13b: {  	s17 =	sadd.s32 $0x1, s17;
	s18 =	sadd.s32 @!p0 s1, s18;
	[tilespmem:s2+$0xC000] =	vst v63;
	s2 =	sshll.u32 @!p0 s22, $0xA;
	v3 =	vsel vm15, $0x0, v3  }
0x13c: {  	s21 =	simm.s32 @!p0 $0x4000;
	s2 =	sadd.s32 @!p0 s2, s18;
	s18 =	simm.s32 @!p0 $0x0;
	[tilespmem:s30+$0xC000] =	vst v3  }
0x13d: {  	[tilespmem:s21], [sflag:$0x2] =	stream.linear.gather @!p0 [hbm4b:s2+s18], $0x4000, $0x38;
	[tilespmem:$0x10000] =	vst v63  }
0x13e: {  	p0 =	sne.s32 s17, $0x20  }
.Ltmp2:
0x13f: {  	_ = 	snop;
	(pc) =	sbr.rel @p0 .LBB2_2-.Ltmp2, $4  }
0x140: {  	s31 =	sadd.s32 s20, s3  }
0x141: {  	s2 =	sadd.s32 s19, s31  }
0x142: {  	s2 =	sadd.s32 $0x800, s2  }
0x143: {  	[hbm4b:s2+s5] =	stream.linear.scatter [tilespmem:s13], [sflag:$0x4], $0x4000, $0x38;
	[tilespmem:$0x10000] =	vst v63  }
0x144: {  	s16 =	sadd.s32 $0x1, s16  }
0x145: {  	_ =	swait.ge [sflag:s14], $0x4000;
	p0 =	sne.s32 s16, s8  }
.Ltmp3:
0x146: {  	[sflag:s14] =	ssyncset.done $0x0;
	(pc) =	sbr.rel @p0 .LBB2_1-.Ltmp3, $4  }
0x147: {  	[sflag:s14] =	ssyncadd.s32 $0xFFFFC000  }
0x148: {  	_ =	swait.ge [sflag:s15], $0x4000  }
0x149: {  	[sflag:s15] =	ssyncset.done $0x0  }
0x14a: {  	[sflag:s15] =	ssyncadd.s32 $0xFFFFC000  }
0x14b: {  	_ =	sfence.sel $0x180000  }
0x14c: {  	[bflag:$0x0] =	sbarrier.arrive $0xFFFF  }
0x14d: {  	_ =	strace $0x90000047  }
0x14e: {  	[bflag:$0x2] =	sbarrier.arrive $0xFFFF  }
0x14f: {  	p0 =	sne.s32 s0, $0x0;
	s0 =	rddreg [dreg:$0x2]  }
0x150: {  	s0 =	sadd.s32 @!p0 $0x100000, s0  }
0x151: {  	[sflag:s0] =	ssyncadd.tile.s32 @!p0 $0x1;
	_ =	shalt  }
.Lfunc_end2:
_tile_overlayer_lowered:
.L_overlay_start_2:
0x152: {  	(tag) =	ssettag $0x2  }
0x153: {  	s0 =	rddreg [dreg:$0x0];
	s2 =	stileid.u32  }
0x154: {  	s1 =	rddreg [dreg:$0x1];
	p0 =	sne.s32 s2, $0x0  }
0x155: {  	s3 =	rddreg [dreg:$0x2];
	[bflag:$0x3] =	sbarrier.arrive $0xFFFF;
	s2 =	simm.s32 @!p0 $0x1C05  }
0x156: {  	[timem:s3], [sflag:s2] =	dma.local @!p0 [hbm:s0], s1  }
0x157: {  	s0 =	simm.s32 @!p0 $0x5  }
0x158: {  	_ =	swait.ge @!p0 [sflag:s0], s1  }
0x159: {  	s1 =	ssub.s32 @!p0 $0x0, s1;
	[sflag:s0] =	ssyncset.done @!p0 $0x0  }
0x15a: {  	[sflag:s0] =	ssyncadd.s32 @!p0 s1  }
0x15b: {  	[bflag:$0x3] =	sbarrier.arrive $0xFFFF  }
0x15c: {  	_ =	shalt  }

</sc_bundles>
